<compile_context>
chip_gen: v7x
topology: tpu7x:2x2x1
jax: 0.10.2.dev20260603
libtpu: 0.0.44.dev20260713+nightly
codegen_flags: <defaults>
</compile_context>

<pallas_src>
import functools

import jax
import jax.numpy as jnp
from jax import lax
from jax.experimental import pallas as pl
from jax.experimental.pallas import tpu as pltpu
from jax.experimental.pallas import tpu_sc as plsc

EMB = 1024
HEADS = 16
HEAD_DIM = EMB // HEADS
FFN = EMB * 3
NUM_EXPERTS = 8
TOP_K = 2
EPS = 1e-6
SEQ = 2048
NSLOTS = SEQ * TOP_K
ROW_TILE = 512
N_TILES = NSLOTS // ROW_TILE
MAX_ITEMS = N_TILES + NUM_EXPERTS - 1
FFN_CHUNK = 1024
N_FCHUNK = FFN // FFN_CHUNK



def _qkv_body(x_ref, w_ref, ln1_ref, out_ref):
    xb = x_ref[...]
    ms = jnp.mean(xb * xb, axis=1, keepdims=True)
    h = xb * lax.rsqrt(ms + EPS) * ln1_ref[...]
    out_ref[...] = jnp.dot(h, w_ref[...], preferred_element_type=jnp.float32)


def _attn_body(q_ref, k_ref, v_ref, cq_ref, sq_ref, ck_ref, sk_ref, r_ref,
               out_ref):
    i = pl.program_id(1)
    qh = q_ref[0]
    kh = k_ref[0]
    vh = v_ref[0]
    rot = r_ref[...]
    qr = qh * cq_ref[...] + jnp.dot(qh, rot, preferred_element_type=jnp.float32) * sq_ref[...]
    kr = kh * ck_ref[...] + jnp.dot(kh, rot, preferred_element_type=jnp.float32) * sk_ref[...]
    s = lax.dot_general(qr, kr, (((1,), (1,)), ((), ())),
                        preferred_element_type=jnp.float32)
    s = s * (HEAD_DIM ** -0.5)
    rows = i * 512 + lax.broadcasted_iota(jnp.int32, s.shape, 0)
    cols = lax.broadcasted_iota(jnp.int32, s.shape, 1)
    s = jnp.where(cols > rows, -jnp.inf, s)
    mx = jnp.max(s, axis=1, keepdims=True)
    e = jnp.exp(s - mx)
    p = e / jnp.sum(e, axis=1, keepdims=True)
    out_ref[0] = jnp.dot(p, vh, preferred_element_type=jnp.float32)


def _proj_body(x_ref, ao_ref, wo_ref, ln2_ref, h1_ref, m_ref):
    h1 = x_ref[...] + jnp.dot(ao_ref[...], wo_ref[...],
                              preferred_element_type=jnp.float32)
    h1_ref[...] = h1
    ms = jnp.mean(h1 * h1, axis=1, keepdims=True)
    m_ref[...] = h1 * lax.rsqrt(ms + EPS) * ln2_ref[...]


def _router_body(m_ref, wg_ref, tri_ref, d0_ref, d1_ref, w0_ref,
                 w1_ref, off_ref, aux_ref):
    m = m_ref[...]
    logits = jnp.dot(m, wg_ref[...], preferred_element_type=jnp.float32)
    mx = jnp.max(logits, axis=1, keepdims=True)
    eg = jnp.exp(logits - mx)
    gate = eg / jnp.sum(eg, axis=1, keepdims=True)

    lanes = lax.broadcasted_iota(jnp.int32, gate.shape, 1)
    i1 = jnp.argmax(gate, axis=1).astype(jnp.int32)[:, None]
    w1v = jnp.max(gate, axis=1, keepdims=True)
    gate2 = jnp.where(lanes == i1, -jnp.inf, gate)
    i2 = jnp.argmax(gate2, axis=1).astype(jnp.int32)[:, None]
    w2v = jnp.max(gate2, axis=1, keepdims=True)
    t = jnp.exp(w2v - w1v)
    p1 = 1.0 / (1.0 + t)
    p2 = t / (1.0 + t)

    o1 = (lanes == i1).astype(jnp.float32)
    o2 = (lanes == i2).astype(jnp.float32)
    tri = tri_ref[...]
    c1 = jnp.dot(tri, o1, preferred_element_type=jnp.float32)
    c2 = jnp.dot(tri, o2, preferred_element_type=jnp.float32)
    rank1 = jnp.sum(o1 * c1, axis=1, keepdims=True) - 1.0
    rank2 = jnp.sum(o2 * c2, axis=1, keepdims=True) - 1.0
    cnt1 = c1[SEQ - 1:SEQ, :]
    cnt2 = c2[SEQ - 1:SEQ, :]
    counts = cnt1 + cnt2
    ue = lax.broadcasted_iota(jnp.int32, (NUM_EXPERTS, NUM_EXPERTS), 0)
    uc = lax.broadcasted_iota(jnp.int32, (NUM_EXPERTS, NUM_EXPERTS), 1)
    strict_upper = (ue < uc).astype(jnp.float32)
    cq = jnp.floor(counts * 0.0625)
    cl = counts - 16.0 * cq
    off = (16.0 * jnp.dot(cq, strict_upper, preferred_element_type=jnp.float32)
           + jnp.dot(cl, strict_upper, preferred_element_type=jnp.float32))
    dest1 = jnp.sum(o1 * off, axis=1, keepdims=True) + rank1
    dest2 = jnp.sum(o2 * (off + cnt1), axis=1, keepdims=True) + rank2

    zcol = jnp.zeros((1, 1), jnp.float32)

    def to_row(dcol):
        q = jnp.floor(dcol * 0.0625)
        lo = dcol - 16.0 * q
        rq = lax.dot_general(q, tri, (((0,), (0,)), ((), ())),
                             preferred_element_type=jnp.float32)
        rl = lax.dot_general(lo, tri, (((0,), (0,)), ((), ())),
                             preferred_element_type=jnp.float32)
        r = 16.0 * rq + rl
        sh = jnp.concatenate([r[:, 1:], zcol], axis=1)
        return r - sh

    d0_ref[...] = jnp.broadcast_to(to_row(dest1).astype(jnp.int32), (8, SEQ))
    d1_ref[...] = jnp.broadcast_to(to_row(dest2).astype(jnp.int32), (8, SEQ))
    w0_ref[...] = jnp.broadcast_to(p1, (SEQ, 128))
    w1_ref[...] = jnp.broadcast_to(p2, (SEQ, 128))

    eye8 = (ue == uc).astype(jnp.float32)
    oq = jnp.floor(off * 0.0625)
    ol = off - 16.0 * oq
    offcol = (16.0 * lax.dot_general(eye8, oq, (((1,), (1,)), ((), ())),
                                     preferred_element_type=jnp.float32)
              + lax.dot_general(eye8, ol, (((1,), (1,)), ((), ())),
                                preferred_element_type=jnp.float32))
    off_ref[...] = jnp.broadcast_to(offcol.astype(jnp.int32),
                                    (NUM_EXPERTS, 128))

    importance = jnp.mean(gate, axis=0, keepdims=True)
    load = counts / jnp.float32(SEQ)
    aux = jnp.float32(NUM_EXPERTS) * jnp.sum(importance * load)
    aux_ref[...] = jnp.broadcast_to(aux[None, None], (8, 128))


def _ffn_body(tid_ref, eid_ref, rs_ref, re_ref, ff_ref,
              xs_ref, weg_ref, weu_ref, wed_ref, out_ref):
    s = pl.program_id(0)
    f = pl.program_id(1)
    xb = xs_ref[...].astype(jnp.bfloat16)
    g = jnp.dot(xb, weg_ref[0].astype(jnp.bfloat16),
                preferred_element_type=jnp.float32)
    u = jnp.dot(xb, weu_ref[0].astype(jnp.bfloat16),
                preferred_element_type=jnp.float32)
    h = (g * (1.0 / (1.0 + jnp.exp(-g)))) * u
    grow = tid_ref[s] * ROW_TILE + lax.broadcasted_iota(
        jnp.int32, (ROW_TILE, 1), 0)
    maskv = (grow >= rs_ref[s]) & (grow < re_ref[s])
    h = jnp.where(maskv, h, 0.0).astype(jnp.bfloat16)
    contrib = jnp.dot(h, wed_ref[0].astype(jnp.bfloat16),
                      preferred_element_type=jnp.float32)
    is_first = (ff_ref[s] == 1) & (f == 0)

    @pl.when(is_first)
    def _():
        out_ref[...] = contrib

    @pl.when(jnp.logical_not(is_first))
    def _():
        out_ref[...] += contrib


def _combine_body(h1_ref, ga_ref, gb_ref, w0_ref, w1_ref, out_ref):
    w0 = w0_ref[...][:, 0:1]
    w1 = w1_ref[...][:, 0:1]
    out_ref[...] = h1_ref[...] + w0 * ga_ref[...] + w1 * gb_ref[...]



def _qkv_call(x2, Wqkv, ln1row):
    return pl.pallas_call(
        _qkv_body,
        grid=(SEQ // 512,),
        in_specs=[
            pl.BlockSpec((512, EMB), lambda i: (i, 0)),
            pl.BlockSpec((EMB, 3 * EMB), lambda i: (0, 0)),
            pl.BlockSpec((1, EMB), lambda i: (0, 0)),
        ],
        out_specs=pl.BlockSpec((512, 3 * EMB), lambda i: (i, 0)),
        out_shape=jax.ShapeDtypeStruct((SEQ, 3 * EMB), jnp.float32),
    )(x2, Wqkv, ln1row)


def _attn_call(q, k, v, cos, sin, rot):
    return pl.pallas_call(
        _attn_body,
        grid=(HEADS, SEQ // 512),
        in_specs=[
            pl.BlockSpec((1, 512, HEAD_DIM), lambda h, i: (h, i, 0)),
            pl.BlockSpec((1, SEQ, HEAD_DIM), lambda h, i: (h, 0, 0)),
            pl.BlockSpec((1, SEQ, HEAD_DIM), lambda h, i: (h, 0, 0)),
            pl.BlockSpec((512, HEAD_DIM), lambda h, i: (i, 0)),
            pl.BlockSpec((512, HEAD_DIM), lambda h, i: (i, 0)),
            pl.BlockSpec((SEQ, HEAD_DIM), lambda h, i: (0, 0)),
            pl.BlockSpec((SEQ, HEAD_DIM), lambda h, i: (0, 0)),
            pl.BlockSpec((HEAD_DIM, HEAD_DIM), lambda h, i: (0, 0)),
        ],
        out_specs=pl.BlockSpec((1, 512, HEAD_DIM), lambda h, i: (h, i, 0)),
        out_shape=jax.ShapeDtypeStruct((HEADS, SEQ, HEAD_DIM), jnp.float32),
    )(q, k, v, cos, sin, cos, sin, rot)


def _proj_call(x2, ao, Wo, ln2row):
    return pl.pallas_call(
        _proj_body,
        grid=(SEQ // 512,),
        in_specs=[
            pl.BlockSpec((512, EMB), lambda i: (i, 0)),
            pl.BlockSpec((512, EMB), lambda i: (i, 0)),
            pl.BlockSpec((EMB, EMB), lambda i: (0, 0)),
            pl.BlockSpec((1, EMB), lambda i: (0, 0)),
        ],
        out_specs=[
            pl.BlockSpec((512, EMB), lambda i: (i, 0)),
            pl.BlockSpec((512, EMB), lambda i: (i, 0)),
        ],
        out_shape=[
            jax.ShapeDtypeStruct((SEQ, EMB), jnp.float32),
            jax.ShapeDtypeStruct((SEQ, EMB), jnp.float32),
        ],
    )(x2, ao, Wo, ln2row)


def _router_call(m, Wgate, tri):
    return pl.pallas_call(
        _router_body,
        grid=(1,),
        in_specs=[
            pl.BlockSpec((SEQ, EMB), lambda i: (0, 0)),
            pl.BlockSpec((EMB, NUM_EXPERTS), lambda i: (0, 0)),
            pl.BlockSpec((SEQ, SEQ), lambda i: (0, 0)),
        ],
        out_specs=[
            pl.BlockSpec((8, SEQ), lambda i: (0, 0)),
            pl.BlockSpec((8, SEQ), lambda i: (0, 0)),
            pl.BlockSpec((SEQ, 128), lambda i: (0, 0)),
            pl.BlockSpec((SEQ, 128), lambda i: (0, 0)),
            pl.BlockSpec((NUM_EXPERTS, 128), lambda i: (0, 0)),
            pl.BlockSpec((8, 128), lambda i: (0, 0)),
        ],
        out_shape=[
            jax.ShapeDtypeStruct((8, SEQ), jnp.int32),
            jax.ShapeDtypeStruct((8, SEQ), jnp.int32),
            jax.ShapeDtypeStruct((SEQ, 128), jnp.float32),
            jax.ShapeDtypeStruct((SEQ, 128), jnp.float32),
            jax.ShapeDtypeStruct((NUM_EXPERTS, 128), jnp.int32),
            jax.ShapeDtypeStruct((8, 128), jnp.float32),
        ],
    )(m, Wgate, tri)


def _ffn_call(tile_id, expert_id, row_start, row_end, first_flag,
              xs, Weg, Weu, Wed):
    grid_spec = pltpu.PrefetchScalarGridSpec(
        num_scalar_prefetch=5,
        grid=(MAX_ITEMS, N_FCHUNK),
        in_specs=[
            pl.BlockSpec((ROW_TILE, EMB),
                         lambda s, f, tid, eid, rs, re, ff: (tid[s], 0)),
            pl.BlockSpec((1, EMB, FFN_CHUNK),
                         lambda s, f, tid, eid, rs, re, ff: (eid[s], 0, f)),
            pl.BlockSpec((1, EMB, FFN_CHUNK),
                         lambda s, f, tid, eid, rs, re, ff: (eid[s], 0, f)),
            pl.BlockSpec((1, FFN_CHUNK, EMB),
                         lambda s, f, tid, eid, rs, re, ff: (eid[s], f, 0)),
        ],
        out_specs=pl.BlockSpec((ROW_TILE, EMB),
                               lambda s, f, tid, eid, rs, re, ff: (tid[s], 0)),
    )
    return pl.pallas_call(
        _ffn_body,
        grid_spec=grid_spec,
        out_shape=jax.ShapeDtypeStruct((NSLOTS, EMB), jnp.float32),
    )(tile_id, expert_id, row_start, row_end, first_flag, xs, Weg, Weu, Wed)


def _combine_call(h1, ga, gb, w0b, w1b):
    return pl.pallas_call(
        _combine_body,
        grid=(SEQ // 512,),
        in_specs=[
            pl.BlockSpec((512, EMB), lambda i: (i, 0)),
            pl.BlockSpec((512, EMB), lambda i: (i, 0)),
            pl.BlockSpec((512, EMB), lambda i: (i, 0)),
            pl.BlockSpec((512, 128), lambda i: (i, 0)),
            pl.BlockSpec((512, 128), lambda i: (i, 0)),
        ],
        out_specs=pl.BlockSpec((512, EMB), lambda i: (i, 0)),
        out_shape=jax.ShapeDtypeStruct((SEQ, EMB), jnp.float32),
    )(h1, ga, gb, w0b, w1b)



_NW = 32
_CHUNK = SEQ // _NW


@functools.lru_cache(maxsize=None)
def _sc_kernels():
    mesh = plsc.VectorSubcoreMesh(core_axis_name="c", subcore_axis_name="s")
    scratch = [
        pltpu.VMEM((_CHUNK, EMB), jnp.float32),
        pltpu.VMEM((_CHUNK,), jnp.int32),
        pltpu.SemaphoreType.DMA,
    ]

    @functools.partial(
        pl.kernel,
        out_type=jax.ShapeDtypeStruct((NSLOTS, EMB), jnp.float32),
        mesh=mesh,
        scratch_types=list(scratch),
    )
    def dispatch(m_hbm, d0_hbm, d1_hbm, xs_hbm, rows_v, idx_v, sem):
        wid = lax.axis_index("s") * 2 + lax.axis_index("c")
        base = wid * _CHUNK
        pltpu.sync_copy(m_hbm.at[pl.ds(base, _CHUNK)], rows_v)
        pltpu.sync_copy(d0_hbm.at[0, pl.ds(base, _CHUNK)], idx_v)
        pltpu.async_copy(rows_v, xs_hbm.at[idx_v], sem).wait()
        pltpu.sync_copy(d1_hbm.at[0, pl.ds(base, _CHUNK)], idx_v)
        pltpu.async_copy(rows_v, xs_hbm.at[idx_v], sem).wait()

    @functools.partial(
        pl.kernel,
        out_type=(jax.ShapeDtypeStruct((SEQ, EMB), jnp.float32),
                  jax.ShapeDtypeStruct((SEQ, EMB), jnp.float32)),
        mesh=mesh,
        scratch_types=list(scratch),
    )
    def gather(ffn_hbm, d0_hbm, d1_hbm, ga_hbm, gb_hbm, rows_v, idx_v, sem):
        wid = lax.axis_index("s") * 2 + lax.axis_index("c")
        base = wid * _CHUNK
        pltpu.sync_copy(d0_hbm.at[0, pl.ds(base, _CHUNK)], idx_v)
        pltpu.async_copy(ffn_hbm.at[idx_v], rows_v, sem).wait()
        pltpu.sync_copy(rows_v, ga_hbm.at[pl.ds(base, _CHUNK)])
        pltpu.sync_copy(d1_hbm.at[0, pl.ds(base, _CHUNK)], idx_v)
        pltpu.async_copy(ffn_hbm.at[idx_v], rows_v, sem).wait()
        pltpu.sync_copy(rows_v, gb_hbm.at[pl.ds(base, _CHUNK)])

    return dispatch, gather


def _dispatch_sc(m, d0b, d1b):
    return _sc_kernels()[0](m, d0b, d1b)


def _gather_sc(ffn, d0b, d1b):
    return _sc_kernels()[1](ffn, d0b, d1b)



def _rope_tables():
    inv = 1.0 / (10000.0 ** (jnp.arange(0, HEAD_DIM, 2, dtype=jnp.float32)
                             / HEAD_DIM))
    pos = jnp.arange(SEQ, dtype=jnp.float32)
    freqs = jnp.outer(pos, inv)
    emb = jnp.concatenate([freqs, freqs], axis=-1)
    return jnp.cos(emb), jnp.sin(emb)


def _rot_matrix():
    i = jnp.arange(HEAD_DIM)
    plus = (i[:, None] + 1 == i[None, :]) & (i[None, :] % 2 == 1)
    minus = (i[:, None] - 1 == i[None, :]) & (i[None, :] % 2 == 0)
    return plus.astype(jnp.float32) - minus.astype(jnp.float32)


def _tri_matrix():
    r = lax.broadcasted_iota(jnp.int32, (SEQ, SEQ), 0)
    c = lax.broadcasted_iota(jnp.int32, (SEQ, SEQ), 1)
    return (c <= r).astype(jnp.float32)


def _work_items(starts):
    i32 = jnp.int32
    ends = jnp.concatenate([starts[1:], jnp.array([NSLOTS], i32)])
    nonempty = ends > starts
    first_t = starts // ROW_TILE
    last_t = jnp.where(nonempty, (ends - 1) // ROW_TILE, first_t)
    ntiles = jnp.where(nonempty, last_t - first_t + 1, 0)
    base = jnp.concatenate([jnp.zeros((1,), i32), jnp.cumsum(ntiles)])
    s = jnp.arange(MAX_ITEMS, dtype=i32)
    e = jnp.sum((s[:, None] >= base[None, 1:]).astype(i32), axis=1)
    e = jnp.clip(e, 0, NUM_EXPERTS - 1)
    valid = s < base[NUM_EXPERTS]
    tile = first_t[e] + (s - base[e])
    tile_id = jnp.where(valid, tile, N_TILES - 1).astype(i32)
    expert_id = jnp.where(valid, e, 0).astype(i32)
    row_start = jnp.where(valid, starts[e], 0).astype(i32)
    row_end = jnp.where(valid, ends[e], 0).astype(i32)
    first_flag = jnp.concatenate(
        [jnp.ones((1,), i32),
         (tile_id[1:] != tile_id[:-1]).astype(i32)])
    return tile_id, expert_id, row_start, row_end, first_flag


def kernel(x, Wqkv, Wo, Wgate, Weg, Weu, Wed, ln1, ln2):
    B, S, D = x.shape
    x2 = x.reshape(S, D)
    cos, sin = _rope_tables()
    rot = _rot_matrix()
    tri = _tri_matrix()

    qkv = _qkv_call(x2, Wqkv, ln1.reshape(1, EMB))
    q = qkv[:, :EMB].reshape(S, HEADS, HEAD_DIM).transpose(1, 0, 2)
    k = qkv[:, EMB:2 * EMB].reshape(S, HEADS, HEAD_DIM).transpose(1, 0, 2)
    v = qkv[:, 2 * EMB:].reshape(S, HEADS, HEAD_DIM).transpose(1, 0, 2)
    ao = _attn_call(q, k, v, cos, sin, rot)
    ao2 = ao.transpose(1, 0, 2).reshape(S, D)
    h1, m = _proj_call(x2, ao2, Wo, ln2.reshape(1, EMB))

    d0b, d1b, w0b, w1b, offb, auxb = _router_call(m, Wgate, tri)
    starts = offb[:, 0]
    tile_id, expert_id, row_start, row_end, first_flag = _work_items(starts)

    xs = _dispatch_sc(m, d0b, d1b)
    ffn = _ffn_call(tile_id, expert_id, row_start, row_end, first_flag,
                    xs, Weg, Weu, Wed)
    ga, gb = _gather_sc(ffn, d0b, d1b)
    out = _combine_call(h1, ga, gb, w0b, w1b)

    aux = auxb[0, 0]
    return out.reshape(B, S, D), aux

# --- scband reference (transcript-rebuilt; emitter-appended) ---
"""Pipeline reference for scband-transformer-block-31808527794229 (READ-ONLY COPY).

The authoritative reference and input builder live on the scoring server;
editing this copy changes nothing except your own understanding.
"""

import jax, jax.numpy as jnp
import numpy as np

EMB = 1024
HEADS = 16
HEAD_DIM = EMB // HEADS
FFN = EMB * 3
NUM_EXPERTS = 8
TOP_K = 2
EPS = 1e-6


def rotate_half(x):
    x1 = x[..., ::2]
    x2 = x[..., 1::2]
    return jnp.stack((-x2, x1), axis=-1).reshape(x.shape[:-1] + (-1,))


def rope_cos_sin(seq_len, head_dim):
    inv_freq = 1.0 / (10000.0 ** (jnp.arange(0, head_dim, 2, dtype=jnp.float32) / head_dim))
    pos = jnp.arange(seq_len, dtype=jnp.float32)
    freqs = jnp.outer(pos, inv_freq)
    emb = jnp.concatenate([freqs, freqs], axis=-1)
    return jnp.cos(emb)[None, None, :, :], jnp.sin(emb)[None, None, :, :]


def rmsnorm(x, w):
    return x * jax.lax.rsqrt(jnp.mean(x * x, axis=-1, keepdims=True) + EPS) * w


def setup_inputs(seed: int = 0):
    key = jax.random.key(seed)
    ks = jax.random.split(key, 10)
    x = jax.random.normal(ks[0], (1, 2048, EMB), dtype=jnp.float32)
    Wqkv = jax.random.normal(ks[1], (EMB, 3 * EMB), dtype=jnp.float32) * 0.02
    Wo = jax.random.normal(ks[2], (EMB, EMB), dtype=jnp.float32) * 0.02
    Wgate = jax.random.normal(ks[3], (EMB, NUM_EXPERTS), dtype=jnp.float32) * 0.02
    Weg = jax.random.normal(ks[4], (NUM_EXPERTS, EMB, FFN), dtype=jnp.float32) * 0.02
    Weu = jax.random.normal(ks[5], (NUM_EXPERTS, EMB, FFN), dtype=jnp.float32) * 0.02
    Wed = jax.random.normal(ks[6], (NUM_EXPERTS, FFN, EMB), dtype=jnp.float32) * 0.02
    ln1 = jnp.ones((EMB,), dtype=jnp.float32)
    ln2 = jnp.ones((EMB,), dtype=jnp.float32)
    return {"x": x, "Wqkv": Wqkv, "Wo": Wo, "Wgate": Wgate, "Weg": Weg, "Weu": Weu, "Wed": Wed, "ln1": ln1, "ln2": ln2}


def _block(x, Wqkv, Wo, Wgate, Weg, Weu, Wed, ln1, ln2):
    B, S, D = x.shape
    # pre-norm attention
    h = rmsnorm(x, ln1)
    qkv = (h @ Wqkv).reshape(B, S, 3, HEADS, HEAD_DIM).transpose(2, 0, 3, 1, 4)
    q, k, v = qkv[0], qkv[1], qkv[2]
    cos, sin = rope_cos_sin(S, HEAD_DIM)
    q = q * cos + rotate_half(q) * sin
    k = k * cos + rotate_half(k) * sin
    scores = jnp.einsum('bhqd,bhkd->bhqk', q, k) * (HEAD_DIM ** -0.5)
    causal = jnp.arange(S)[None, :] > jnp.arange(S)[:, None]
    scores = jnp.where(causal[None, None, :, :], jnp.float32(-jnp.inf), scores)
    attn = jax.nn.softmax(scores, axis=-1)
    ao = jnp.einsum('bhqk,bhkd->bhqd', attn, v)
    ao = ao.transpose(0, 2, 1, 3).reshape(B, S, D) @ Wo
    h1 = x + ao
    # pre-norm MoE
    m = rmsnorm(h1, ln2)
    xf = m.reshape(B * S, D)
    N = B * S
    gate_logits = xf @ Wgate
    gate_w = jax.nn.softmax(gate_logits, axis=-1)
    top_w, top_i = jax.lax.top_k(gate_w, TOP_K)
    top_w = jax.nn.softmax(top_w, axis=-1)
    # dense expert compute over all tokens (faithful to reference implementation)
    hidden = jax.nn.silu(jnp.einsum('nd,edf->enf', xf, Weg)) * jnp.einsum('nd,edf->enf', xf, Weu)
    eouts = jnp.einsum('enf,efd->end', hidden, Wed)
    wsel = jnp.zeros((N, NUM_EXPERTS), dtype=jnp.float32).at[jnp.arange(N)[:, None], top_i].add(top_w)
    moe_out = jnp.einsum('end,ne->nd', eouts, wsel).reshape(B, S, D)
    out = h1 + moe_out
    # load balancing aux loss
    importance = gate_w.mean(axis=0)
    load = jnp.bincount(top_i.reshape(-1), length=NUM_EXPERTS).astype(jnp.float32) / N
    aux = NUM_EXPERTS * jnp.sum(importance * load)
    return out, aux


def reference(x, Wqkv, Wo, Wgate, Weg, Weu, Wed, ln1, ln2):
    return _block(x, Wqkv, Wo, Wgate, Weg, Weu, Wed, ln1, ln2)

if __name__ == "__main__":
    import jax
    _d = setup_inputs()
    print(jax.jit(kernel)(*tuple(_d.values())))

</pallas_src>

<mosaic_0001>
#map = affine_map<(d0, d1) -> (0, 0)>
module attributes {stable_mosaic.version = 14 : i64} {
  func.func @gather(%arg0: i32, %arg1: i32, %arg2: memref<4096x1024xf32, #tpu.memory_space<hbm>>, %arg3: memref<8x2048xi32, #tpu.memory_space<hbm>>, %arg4: memref<8x2048xi32, #tpu.memory_space<hbm>>, %arg5: memref<2048x1024xf32, #tpu.memory_space<hbm>>, %arg6: memref<2048x1024xf32, #tpu.memory_space<hbm>>, %arg7: memref<64x1024xf32, #tpu.memory_space<vmem>>, %arg8: memref<64xi32, #tpu.memory_space<vmem>>, %arg9: memref<!tpu.dma_semaphore, #tpu.memory_space<semaphore_mem>>) attributes {dimension_semantics = [#tpu.dimension_semantics<core_parallel>, #tpu.dimension_semantics<subcore_parallel>], iteration_bounds = array<i64: 2, 16>, scalar_prefetch = 0 : i64, scratch_operands = 3 : i64, tpu.core_type = #tpu.core_type<sc_vector_subcore>, window_params = [{transform_indices = #map}, {transform_indices = #map}, {transform_indices = #map}, {transform_indices = #map}, {transform_indices = #map}]} {
    %mul3A = arith.constant 2 : i32
    %mul3A_0 = arith.muli %arg1, %mul3A : i32
    %add3A = arith.addi %mul3A_0, %arg0 : i32
    %mul3A_1 = arith.constant 64 : i32
    %mul3A_2 = arith.muli %add3A, %mul3A_1 : i32
    %run_scoped3A = arith.constant 0 : i32
    "tpu.region"() ({
      %run_scoped3A_14 = tpu.sem_alloc : memref<!tpu.dma_semaphore, #tpu.memory_space<semaphore_mem>>
      %dma_start3A_15 = tpu.memref_slice %arg3[%run_scoped3A, %mul3A_2] : memref<8x2048xi32, #tpu.memory_space<hbm>> -> memref<1x64xi32, #tpu.memory_space<hbm>>
      %dma_start3A_16 = tpu.memref_squeeze %dma_start3A_15 : memref<1x64xi32, #tpu.memory_space<hbm>> -> memref<64xi32, #tpu.memory_space<hbm>>
      %dma_start3A_17 = tpu.memref_slice %arg3[%run_scoped3A, %mul3A_2] : memref<8x2048xi32, #tpu.memory_space<hbm>> -> memref<1x64xi32, #tpu.memory_space<hbm>>
      %dma_start3A_18 = tpu.memref_squeeze %dma_start3A_17 : memref<1x64xi32, #tpu.memory_space<hbm>> -> memref<64xi32, #tpu.memory_space<hbm>>
      tpu.enqueue_dma source(%dma_start3A_18 : memref<64xi32, #tpu.memory_space<hbm>>) target(%arg8 : memref<64xi32, #tpu.memory_space<vmem>>) target_semaphore(%run_scoped3A_14 : memref<!tpu.dma_semaphore, #tpu.memory_space<semaphore_mem>>)
      %dma_wait3A_19 = tpu.memref_slice %arg3[%run_scoped3A, %mul3A_2] : memref<8x2048xi32, #tpu.memory_space<hbm>> -> memref<1x64xi32, #tpu.memory_space<hbm>>
      %dma_wait3A_20 = tpu.memref_squeeze %dma_wait3A_19 : memref<1x64xi32, #tpu.memory_space<hbm>> -> memref<64xi32, #tpu.memory_space<hbm>>
      %dma_wait3A_21 = tpu.memref_slice %arg3[%run_scoped3A, %mul3A_2] : memref<8x2048xi32, #tpu.memory_space<hbm>> -> memref<1x64xi32, #tpu.memory_space<hbm>>
      %dma_wait3A_22 = tpu.memref_squeeze %dma_wait3A_21 : memref<1x64xi32, #tpu.memory_space<hbm>> -> memref<64xi32, #tpu.memory_space<hbm>>
      tpu.wait_dma2 semaphore(%run_scoped3A_14 : memref<!tpu.dma_semaphore, #tpu.memory_space<semaphore_mem>>) src(%dma_wait3A_22 : memref<64xi32, #tpu.memory_space<hbm>>) dst(%arg8 : memref<64xi32, #tpu.memory_space<vmem>>)
      tpu.yield
    }) : () -> ()
    %dma_start3A = arith.constant 0 : i32
    %dma_start3A_3 = arith.constant 0 : i32
    %dma_start3A_4 = tpu.memref_slice %arg2[%dma_start3A, %dma_start3A_3] : memref<4096x1024xf32, #tpu.memory_space<hbm>> -> memref<4096x1024xf32, #tpu.memory_space<hbm>>
    tpu.enqueue_indirect_dma source(%dma_start3A_4 : memref<4096x1024xf32, #tpu.memory_space<hbm>>) target(%arg7 : memref<64x1024xf32, #tpu.memory_space<vmem>>) offsets(%arg8 : memref<64xi32, #tpu.memory_space<vmem>>) semaphore(%arg9 : memref<!tpu.dma_semaphore, #tpu.memory_space<semaphore_mem>>)
    %dma_wait3A = arith.constant 0 : i32
    %dma_wait3A_5 = arith.constant 0 : i32
    %dma_wait3A_6 = tpu.memref_slice %arg2[%dma_wait3A, %dma_wait3A_5] : memref<4096x1024xf32, #tpu.memory_space<hbm>> -> memref<4096x1024xf32, #tpu.memory_space<hbm>>
    tpu.wait_indirect_dma semaphore(%arg9 : memref<!tpu.dma_semaphore, #tpu.memory_space<semaphore_mem>>) src(%dma_wait3A_6 : memref<4096x1024xf32, #tpu.memory_space<hbm>>) dst(%arg7 : memref<64x1024xf32, #tpu.memory_space<vmem>>)
    "tpu.region"() ({
      %run_scoped3A_14 = tpu.sem_alloc : memref<!tpu.dma_semaphore, #tpu.memory_space<semaphore_mem>>
      %dma_start3A_15 = arith.constant 0 : i32
      %dma_start3A_16 = tpu.memref_slice %arg5[%mul3A_2, %dma_start3A_15] : memref<2048x1024xf32, #tpu.memory_space<hbm>> -> memref<64x1024xf32, #tpu.memory_space<hbm>>
      %dma_start3A_17 = arith.constant 0 : i32
      %dma_start3A_18 = tpu.memref_slice %arg5[%mul3A_2, %dma_start3A_17] : memref<2048x1024xf32, #tpu.memory_space<hbm>> -> memref<64x1024xf32, #tpu.memory_space<hbm>>
      tpu.enqueue_dma source(%arg7 : memref<64x1024xf32, #tpu.memory_space<vmem>>) target(%dma_start3A_18 : memref<64x1024xf32, #tpu.memory_space<hbm>>) target_semaphore(%run_scoped3A_14 : memref<!tpu.dma_semaphore, #tpu.memory_space<semaphore_mem>>)
      %dma_wait3A_19 = arith.constant 0 : i32
      %dma_wait3A_20 = tpu.memref_slice %arg5[%mul3A_2, %dma_wait3A_19] : memref<2048x1024xf32, #tpu.memory_space<hbm>> -> memref<64x1024xf32, #tpu.memory_space<hbm>>
      %dma_wait3A_21 = arith.constant 0 : i32
      %dma_wait3A_22 = tpu.memref_slice %arg5[%mul3A_2, %dma_wait3A_21] : memref<2048x1024xf32, #tpu.memory_space<hbm>> -> memref<64x1024xf32, #tpu.memory_space<hbm>>
      tpu.wait_dma2 semaphore(%run_scoped3A_14 : memref<!tpu.dma_semaphore, #tpu.memory_space<semaphore_mem>>) src(%arg7 : memref<64x1024xf32, #tpu.memory_space<vmem>>) dst(%dma_wait3A_22 : memref<64x1024xf32, #tpu.memory_space<hbm>>)
      tpu.yield
    }) : () -> ()
    %run_scoped3A_7 = arith.constant 0 : i32
    "tpu.region"() ({
      %run_scoped3A_14 = tpu.sem_alloc : memref<!tpu.dma_semaphore, #tpu.memory_space<semaphore_mem>>
      %dma_start3A_15 = tpu.memref_slice %arg4[%run_scoped3A_7, %mul3A_2] : memref<8x2048xi32, #tpu.memory_space<hbm>> -> memref<1x64xi32, #tpu.memory_space<hbm>>
      %dma_start3A_16 = tpu.memref_squeeze %dma_start3A_15 : memref<1x64xi32, #tpu.memory_space<hbm>> -> memref<64xi32, #tpu.memory_space<hbm>>
      %dma_start3A_17 = tpu.memref_slice %arg4[%run_scoped3A_7, %mul3A_2] : memref<8x2048xi32, #tpu.memory_space<hbm>> -> memref<1x64xi32, #tpu.memory_space<hbm>>
      %dma_start3A_18 = tpu.memref_squeeze %dma_start3A_17 : memref<1x64xi32, #tpu.memory_space<hbm>> -> memref<64xi32, #tpu.memory_space<hbm>>
      tpu.enqueue_dma source(%dma_start3A_18 : memref<64xi32, #tpu.memory_space<hbm>>) target(%arg8 : memref<64xi32, #tpu.memory_space<vmem>>) target_semaphore(%run_scoped3A_14 : memref<!tpu.dma_semaphore, #tpu.memory_space<semaphore_mem>>)
      %dma_wait3A_19 = tpu.memref_slice %arg4[%run_scoped3A_7, %mul3A_2] : memref<8x2048xi32, #tpu.memory_space<hbm>> -> memref<1x64xi32, #tpu.memory_space<hbm>>
      %dma_wait3A_20 = tpu.memref_squeeze %dma_wait3A_19 : memref<1x64xi32, #tpu.memory_space<hbm>> -> memref<64xi32, #tpu.memory_space<hbm>>
      %dma_wait3A_21 = tpu.memref_slice %arg4[%run_scoped3A_7, %mul3A_2] : memref<8x2048xi32, #tpu.memory_space<hbm>> -> memref<1x64xi32, #tpu.memory_space<hbm>>
      %dma_wait3A_22 = tpu.memref_squeeze %dma_wait3A_21 : memref<1x64xi32, #tpu.memory_space<hbm>> -> memref<64xi32, #tpu.memory_space<hbm>>
      tpu.wait_dma2 semaphore(%run_scoped3A_14 : memref<!tpu.dma_semaphore, #tpu.memory_space<semaphore_mem>>) src(%dma_wait3A_22 : memref<64xi32, #tpu.memory_space<hbm>>) dst(%arg8 : memref<64xi32, #tpu.memory_space<vmem>>)
      tpu.yield
    }) : () -> ()
    %dma_start3A_8 = arith.constant 0 : i32
    %dma_start3A_9 = arith.constant 0 : i32
    %dma_start3A_10 = tpu.memref_slice %arg2[%dma_start3A_8, %dma_start3A_9] : memref<4096x1024xf32, #tpu.memory_space<hbm>> -> memref<4096x1024xf32, #tpu.memory_space<hbm>>
    tpu.enqueue_indirect_dma source(%dma_start3A_10 : memref<4096x1024xf32, #tpu.memory_space<hbm>>) target(%arg7 : memref<64x1024xf32, #tpu.memory_space<vmem>>) offsets(%arg8 : memref<64xi32, #tpu.memory_space<vmem>>) semaphore(%arg9 : memref<!tpu.dma_semaphore, #tpu.memory_space<semaphore_mem>>)
    %dma_wait3A_11 = arith.constant 0 : i32
    %dma_wait3A_12 = arith.constant 0 : i32
    %dma_wait3A_13 = tpu.memref_slice %arg2[%dma_wait3A_11, %dma_wait3A_12] : memref<4096x1024xf32, #tpu.memory_space<hbm>> -> memref<4096x1024xf32, #tpu.memory_space<hbm>>
    tpu.wait_indirect_dma semaphore(%arg9 : memref<!tpu.dma_semaphore, #tpu.memory_space<semaphore_mem>>) src(%dma_wait3A_13 : memref<4096x1024xf32, #tpu.memory_space<hbm>>) dst(%arg7 : memref<64x1024xf32, #tpu.memory_space<vmem>>)
    "tpu.region"() ({
      %run_scoped3A_14 = tpu.sem_alloc : memref<!tpu.dma_semaphore, #tpu.memory_space<semaphore_mem>>
      %dma_start3A_15 = arith.constant 0 : i32
      %dma_start3A_16 = tpu.memref_slice %arg6[%mul3A_2, %dma_start3A_15] : memref<2048x1024xf32, #tpu.memory_space<hbm>> -> memref<64x1024xf32, #tpu.memory_space<hbm>>
      %dma_start3A_17 = arith.constant 0 : i32
      %dma_start3A_18 = tpu.memref_slice %arg6[%mul3A_2, %dma_start3A_17] : memref<2048x1024xf32, #tpu.memory_space<hbm>> -> memref<64x1024xf32, #tpu.memory_space<hbm>>
      tpu.enqueue_dma source(%arg7 : memref<64x1024xf32, #tpu.memory_space<vmem>>) target(%dma_start3A_18 : memref<64x1024xf32, #tpu.memory_space<hbm>>) target_semaphore(%run_scoped3A_14 : memref<!tpu.dma_semaphore, #tpu.memory_space<semaphore_mem>>)
      %dma_wait3A_19 = arith.constant 0 : i32
      %dma_wait3A_20 = tpu.memref_slice %arg6[%mul3A_2, %dma_wait3A_19] : memref<2048x1024xf32, #tpu.memory_space<hbm>> -> memref<64x1024xf32, #tpu.memory_space<hbm>>
      %dma_wait3A_21 = arith.constant 0 : i32
      %dma_wait3A_22 = tpu.memref_slice %arg6[%mul3A_2, %dma_wait3A_21] : memref<2048x1024xf32, #tpu.memory_space<hbm>> -> memref<64x1024xf32, #tpu.memory_space<hbm>>
      tpu.wait_dma2 semaphore(%run_scoped3A_14 : memref<!tpu.dma_semaphore, #tpu.memory_space<semaphore_mem>>) src(%arg7 : memref<64x1024xf32, #tpu.memory_space<vmem>>) dst(%dma_wait3A_22 : memref<64x1024xf32, #tpu.memory_space<hbm>>)
      tpu.yield
    }) : () -> ()
    return
  }
}

#map = affine_map<(d0, d1) -> (0, 0)>
module attributes {stable_mosaic.version = 14 : i64} {
  func.func @dispatch(%arg0: i32, %arg1: i32, %arg2: memref<2048x1024xf32, #tpu.memory_space<hbm>>, %arg3: memref<8x2048xi32, #tpu.memory_space<hbm>>, %arg4: memref<8x2048xi32, #tpu.memory_space<hbm>>, %arg5: memref<4096x1024xf32, #tpu.memory_space<hbm>>, %arg6: memref<64x1024xf32, #tpu.memory_space<vmem>>, %arg7: memref<64xi32, #tpu.memory_space<vmem>>, %arg8: memref<!tpu.dma_semaphore, #tpu.memory_space<semaphore_mem>>) attributes {dimension_semantics = [#tpu.dimension_semantics<core_parallel>, #tpu.dimension_semantics<subcore_parallel>], iteration_bounds = array<i64: 2, 16>, scalar_prefetch = 0 : i64, scratch_operands = 3 : i64, tpu.core_type = #tpu.core_type<sc_vector_subcore>, window_params = [{transform_indices = #map}, {transform_indices = #map}, {transform_indices = #map}, {transform_indices = #map}]} {
    %mul3A = arith.constant 2 : i32
    %mul3A_0 = arith.muli %arg1, %mul3A : i32
    %add3A = arith.addi %mul3A_0, %arg0 : i32
    %mul3A_1 = arith.constant 64 : i32
    %mul3A_2 = arith.muli %add3A, %mul3A_1 : i32
    "tpu.region"() ({
      %run_scoped3A_14 = tpu.sem_alloc : memref<!tpu.dma_semaphore, #tpu.memory_space<semaphore_mem>>
      %dma_start3A_15 = arith.constant 0 : i32
      %dma_start3A_16 = tpu.memref_slice %arg2[%mul3A_2, %dma_start3A_15] : memref<2048x1024xf32, #tpu.memory_space<hbm>> -> memref<64x1024xf32, #tpu.memory_space<hbm>>
      %dma_start3A_17 = arith.constant 0 : i32
      %dma_start3A_18 = tpu.memref_slice %arg2[%mul3A_2, %dma_start3A_17] : memref<2048x1024xf32, #tpu.memory_space<hbm>> -> memref<64x1024xf32, #tpu.memory_space<hbm>>
      tpu.enqueue_dma source(%dma_start3A_18 : memref<64x1024xf32, #tpu.memory_space<hbm>>) target(%arg6 : memref<64x1024xf32, #tpu.memory_space<vmem>>) target_semaphore(%run_scoped3A_14 : memref<!tpu.dma_semaphore, #tpu.memory_space<semaphore_mem>>)
      %dma_wait3A_19 = arith.constant 0 : i32
      %dma_wait3A_20 = tpu.memref_slice %arg2[%mul3A_2, %dma_wait3A_19] : memref<2048x1024xf32, #tpu.memory_space<hbm>> -> memref<64x1024xf32, #tpu.memory_space<hbm>>
      %dma_wait3A_21 = arith.constant 0 : i32
      %dma_wait3A_22 = tpu.memref_slice %arg2[%mul3A_2, %dma_wait3A_21] : memref<2048x1024xf32, #tpu.memory_space<hbm>> -> memref<64x1024xf32, #tpu.memory_space<hbm>>
      tpu.wait_dma2 semaphore(%run_scoped3A_14 : memref<!tpu.dma_semaphore, #tpu.memory_space<semaphore_mem>>) src(%dma_wait3A_22 : memref<64x1024xf32, #tpu.memory_space<hbm>>) dst(%arg6 : memref<64x1024xf32, #tpu.memory_space<vmem>>)
      tpu.yield
    }) : () -> ()
    %run_scoped3A = arith.constant 0 : i32
    "tpu.region"() ({
      %run_scoped3A_14 = tpu.sem_alloc : memref<!tpu.dma_semaphore, #tpu.memory_space<semaphore_mem>>
      %dma_start3A_15 = tpu.memref_slice %arg3[%run_scoped3A, %mul3A_2] : memref<8x2048xi32, #tpu.memory_space<hbm>> -> memref<1x64xi32, #tpu.memory_space<hbm>>
      %dma_start3A_16 = tpu.memref_squeeze %dma_start3A_15 : memref<1x64xi32, #tpu.memory_space<hbm>> -> memref<64xi32, #tpu.memory_space<hbm>>
      %dma_start3A_17 = tpu.memref_slice %arg3[%run_scoped3A, %mul3A_2] : memref<8x2048xi32, #tpu.memory_space<hbm>> -> memref<1x64xi32, #tpu.memory_space<hbm>>
      %dma_start3A_18 = tpu.memref_squeeze %dma_start3A_17 : memref<1x64xi32, #tpu.memory_space<hbm>> -> memref<64xi32, #tpu.memory_space<hbm>>
      tpu.enqueue_dma source(%dma_start3A_18 : memref<64xi32, #tpu.memory_space<hbm>>) target(%arg7 : memref<64xi32, #tpu.memory_space<vmem>>) target_semaphore(%run_scoped3A_14 : memref<!tpu.dma_semaphore, #tpu.memory_space<semaphore_mem>>)
      %dma_wait3A_19 = tpu.memref_slice %arg3[%run_scoped3A, %mul3A_2] : memref<8x2048xi32, #tpu.memory_space<hbm>> -> memref<1x64xi32, #tpu.memory_space<hbm>>
      %dma_wait3A_20 = tpu.memref_squeeze %dma_wait3A_19 : memref<1x64xi32, #tpu.memory_space<hbm>> -> memref<64xi32, #tpu.memory_space<hbm>>
      %dma_wait3A_21 = tpu.memref_slice %arg3[%run_scoped3A, %mul3A_2] : memref<8x2048xi32, #tpu.memory_space<hbm>> -> memref<1x64xi32, #tpu.memory_space<hbm>>
      %dma_wait3A_22 = tpu.memref_squeeze %dma_wait3A_21 : memref<1x64xi32, #tpu.memory_space<hbm>> -> memref<64xi32, #tpu.memory_space<hbm>>
      tpu.wait_dma2 semaphore(%run_scoped3A_14 : memref<!tpu.dma_semaphore, #tpu.memory_space<semaphore_mem>>) src(%dma_wait3A_22 : memref<64xi32, #tpu.memory_space<hbm>>) dst(%arg7 : memref<64xi32, #tpu.memory_space<vmem>>)
      tpu.yield
    }) : () -> ()
    %dma_start3A = arith.constant 0 : i32
    %dma_start3A_3 = arith.constant 0 : i32
    %dma_start3A_4 = tpu.memref_slice %arg5[%dma_start3A, %dma_start3A_3] : memref<4096x1024xf32, #tpu.memory_space<hbm>> -> memref<4096x1024xf32, #tpu.memory_space<hbm>>
    tpu.enqueue_indirect_dma source(%arg6 : memref<64x1024xf32, #tpu.memory_space<vmem>>) target(%dma_start3A_4 : memref<4096x1024xf32, #tpu.memory_space<hbm>>) offsets(%arg7 : memref<64xi32, #tpu.memory_space<vmem>>) semaphore(%arg8 : memref<!tpu.dma_semaphore, #tpu.memory_space<semaphore_mem>>)
    %dma_wait3A = arith.constant 0 : i32
    %dma_wait3A_5 = arith.constant 0 : i32
    %dma_wait3A_6 = tpu.memref_slice %arg5[%dma_wait3A, %dma_wait3A_5] : memref<4096x1024xf32, #tpu.memory_space<hbm>> -> memref<4096x1024xf32, #tpu.memory_space<hbm>>
    tpu.wait_indirect_dma semaphore(%arg8 : memref<!tpu.dma_semaphore, #tpu.memory_space<semaphore_mem>>) src(%arg6 : memref<64x1024xf32, #tpu.memory_space<vmem>>) dst(%dma_wait3A_6 : memref<4096x1024xf32, #tpu.memory_space<hbm>>)
    %run_scoped3A_7 = arith.constant 0 : i32
    "tpu.region"() ({
      %run_scoped3A_14 = tpu.sem_alloc : memref<!tpu.dma_semaphore, #tpu.memory_space<semaphore_mem>>
      %dma_start3A_15 = tpu.memref_slice %arg4[%run_scoped3A_7, %mul3A_2] : memref<8x2048xi32, #tpu.memory_space<hbm>> -> memref<1x64xi32, #tpu.memory_space<hbm>>
      %dma_start3A_16 = tpu.memref_squeeze %dma_start3A_15 : memref<1x64xi32, #tpu.memory_space<hbm>> -> memref<64xi32, #tpu.memory_space<hbm>>
      %dma_start3A_17 = tpu.memref_slice %arg4[%run_scoped3A_7, %mul3A_2] : memref<8x2048xi32, #tpu.memory_space<hbm>> -> memref<1x64xi32, #tpu.memory_space<hbm>>
      %dma_start3A_18 = tpu.memref_squeeze %dma_start3A_17 : memref<1x64xi32, #tpu.memory_space<hbm>> -> memref<64xi32, #tpu.memory_space<hbm>>
      tpu.enqueue_dma source(%dma_start3A_18 : memref<64xi32, #tpu.memory_space<hbm>>) target(%arg7 : memref<64xi32, #tpu.memory_space<vmem>>) target_semaphore(%run_scoped3A_14 : memref<!tpu.dma_semaphore, #tpu.memory_space<semaphore_mem>>)
      %dma_wait3A_19 = tpu.memref_slice %arg4[%run_scoped3A_7, %mul3A_2] : memref<8x2048xi32, #tpu.memory_space<hbm>> -> memref<1x64xi32, #tpu.memory_space<hbm>>
      %dma_wait3A_20 = tpu.memref_squeeze %dma_wait3A_19 : memref<1x64xi32, #tpu.memory_space<hbm>> -> memref<64xi32, #tpu.memory_space<hbm>>
      %dma_wait3A_21 = tpu.memref_slice %arg4[%run_scoped3A_7, %mul3A_2] : memref<8x2048xi32, #tpu.memory_space<hbm>> -> memref<1x64xi32, #tpu.memory_space<hbm>>
      %dma_wait3A_22 = tpu.memref_squeeze %dma_wait3A_21 : memref<1x64xi32, #tpu.memory_space<hbm>> -> memref<64xi32, #tpu.memory_space<hbm>>
      tpu.wait_dma2 semaphore(%run_scoped3A_14 : memref<!tpu.dma_semaphore, #tpu.memory_space<semaphore_mem>>) src(%dma_wait3A_22 : memref<64xi32, #tpu.memory_space<hbm>>) dst(%arg7 : memref<64xi32, #tpu.memory_space<vmem>>)
      tpu.yield
    }) : () -> ()
    %dma_start3A_8 = arith.constant 0 : i32
    %dma_start3A_9 = arith.constant 0 : i32
    %dma_start3A_10 = tpu.memref_slice %arg5[%dma_start3A_8, %dma_start3A_9] : memref<4096x1024xf32, #tpu.memory_space<hbm>> -> memref<4096x1024xf32, #tpu.memory_space<hbm>>
    tpu.enqueue_indirect_dma source(%arg6 : memref<64x1024xf32, #tpu.memory_space<vmem>>) target(%dma_start3A_10 : memref<4096x1024xf32, #tpu.memory_space<hbm>>) offsets(%arg7 : memref<64xi32, #tpu.memory_space<vmem>>) semaphore(%arg8 : memref<!tpu.dma_semaphore, #tpu.memory_space<semaphore_mem>>)
    %dma_wait3A_11 = arith.constant 0 : i32
    %dma_wait3A_12 = arith.constant 0 : i32
    %dma_wait3A_13 = tpu.memref_slice %arg5[%dma_wait3A_11, %dma_wait3A_12] : memref<4096x1024xf32, #tpu.memory_space<hbm>> -> memref<4096x1024xf32, #tpu.memory_space<hbm>>
    tpu.wait_indirect_dma semaphore(%arg8 : memref<!tpu.dma_semaphore, #tpu.memory_space<semaphore_mem>>) src(%arg6 : memref<64x1024xf32, #tpu.memory_space<vmem>>) dst(%dma_wait3A_13 : memref<4096x1024xf32, #tpu.memory_space<hbm>>)
    return
  }
}

module attributes {stable_mosaic.version = 14 : i64} {
  func.func @_qkv_body(%arg0: i32, %arg1: memref<512x1024xf32, #tpu.memory_space<vmem>>, %arg2: memref<1024x3072xf32, #tpu.memory_space<vmem>>, %arg3: memref<1x1024xf32, #tpu.memory_space<vmem>>, %arg4: memref<512x3072xf32, #tpu.memory_space<vmem>>) attributes {dimension_semantics = [#tpu.dimension_semantics<arbitrary>], iteration_bounds = array<i64: 4>, scalar_prefetch = 0 : i64, scratch_operands = 0 : i64, tpu.core_type = #tpu.core_type<tc>, window_params = [{transform_indices = @transform_0, window_bounds = array<i64: 512, 1024>}, {pipeline_mode = #tpu.pipeline_mode<synchronous>, transform_indices = @transform_1, window_bounds = array<i64: 1024, 3072>}, {pipeline_mode = #tpu.pipeline_mode<synchronous>, transform_indices = @transform_2, window_bounds = array<i64: 1, 1024>}, {transform_indices = @transform_3, window_bounds = array<i64: 512, 3072>}]} {
    %get3A = arith.constant 0 : index
    %get3A_0 = arith.constant 0 : index
    %get3A_1 = vector.load %arg1[%get3A, %get3A_0] : memref<512x1024xf32, #tpu.memory_space<vmem>>, vector<512x1024xf32>
    %mul3A = arith.mulf %get3A_1, %get3A_1 : vector<512x1024xf32>
    %reduce_sum3A = arith.constant dense<0.000000e+00> : vector<512xf32>
    %reduce_sum3A_2 = vector.multi_reduction <add>, %mul3A, %reduce_sum3A [1] : vector<512x1024xf32> to vector<512xf32>
    %broadcast_in_dim3A = vector.shape_cast %reduce_sum3A_2 : vector<512xf32> to vector<512x1xf32>
    %div3A = arith.constant 1.024000e+03 : f32
    %div3A_3 = vector.broadcast %div3A : f32 to vector<512x1xf32>
    %div3A_4 = arith.divf %broadcast_in_dim3A, %div3A_3 : vector<512x1xf32>
    %add3A = arith.constant 9.99999997E-7 : f32
    %add3A_5 = vector.broadcast %add3A : f32 to vector<512x1xf32>
    %add3A_6 = arith.addf %div3A_4, %add3A_5 : vector<512x1xf32>
    %rsqrt3A = math.rsqrt %add3A_6 : vector<512x1xf32>
    %mul3A_7 = vector.broadcast %rsqrt3A : vector<512x1xf32> to vector<512x1024xf32>
    %mul3A_8 = arith.mulf %get3A_1, %mul3A_7 : vector<512x1024xf32>
    %get3A_9 = arith.constant 0 : index
    %get3A_10 = arith.constant 0 : index
    %get3A_11 = vector.load %arg3[%get3A_9, %get3A_10] : memref<1x1024xf32, #tpu.memory_space<vmem>>, vector<1x1024xf32>
    %mul3A_12 = vector.broadcast %get3A_11 : vector<1x1024xf32> to vector<512x1024xf32>
    %mul3A_13 = arith.mulf %mul3A_8, %mul3A_12 : vector<512x1024xf32>
    %get3A_14 = arith.constant 0 : index
    %get3A_15 = arith.constant 0 : index
    %get3A_16 = vector.load %arg2[%get3A_14, %get3A_15] : memref<1024x3072xf32, #tpu.memory_space<vmem>>, vector<1024x3072xf32>
    %dot_general3A = arith.constant dense<0.000000e+00> : vector<512x3072xf32>
    %dot_general3A_17 = tpu.matmul %mul3A_13, %get3A_16, %dot_general3A {dimension_numbers = #tpu.dot_dimension_numbers<[1], [0], [0], [1], [0, 0, 1, 1], [], []>, transpose_lhs_hint = false} : vector<512x1024xf32>, vector<1024x3072xf32>, vector<512x3072xf32> -> vector<512x3072xf32>
    %swap3A = arith.constant 0 : index
    %swap3A_18 = arith.constant 0 : index
    %swap3A_19 = vector.load %arg4[%swap3A, %swap3A_18] : memref<512x3072xf32, #tpu.memory_space<vmem>>, vector<512x3072xf32>
    tpu.vector_store %arg4[%swap3A, %swap3A_18], %dot_general3A_17 {strides = array<i32>} : memref<512x3072xf32, #tpu.memory_space<vmem>>, vector<512x3072xf32>,
    return
  }
  func.func @transform_0(%arg0: i32) -> (i32, i32) {
    %c0_i32 = arith.constant 0 : i32
    %c0_i32_0 = arith.constant 0 : i32
    return %arg0, %c0_i32 : i32, i32
  }
  func.func @transform_1(%arg0: i32) -> (i32, i32) {
    %c0_i32 = arith.constant 0 : i32
    %c0_i32_0 = arith.constant 0 : i32
    %c0_i32_1 = arith.constant 0 : i32
    return %c0_i32, %c0_i32_0 : i32, i32
  }
  func.func @transform_2(%arg0: i32) -> (i32, i32) {
    %c0_i32 = arith.constant 0 : i32
    %c0_i32_0 = arith.constant 0 : i32
    %c0_i32_1 = arith.constant 0 : i32
    return %c0_i32, %c0_i32_0 : i32, i32
  }
  func.func @transform_3(%arg0: i32) -> (i32, i32) {
    %c0_i32 = arith.constant 0 : i32
    %c0_i32_0 = arith.constant 0 : i32
    return %arg0, %c0_i32 : i32, i32
  }
}

module attributes {stable_mosaic.version = 14 : i64} {
  func.func @_attn_body(%arg0: i32, %arg1: i32, %arg2: memref<1x512x64xf32, #tpu.memory_space<vmem>>, %arg3: memref<1x2048x64xf32, #tpu.memory_space<vmem>>, %arg4: memref<1x2048x64xf32, #tpu.memory_space<vmem>>, %arg5: memref<512x64xf32, #tpu.memory_space<vmem>>, %arg6: memref<512x64xf32, #tpu.memory_space<vmem>>, %arg7: memref<2048x64xf32, #tpu.memory_space<vmem>>, %arg8: memref<2048x64xf32, #tpu.memory_space<vmem>>, %arg9: memref<64x64xf32, #tpu.memory_space<vmem>>, %arg10: memref<1x512x64xf32, #tpu.memory_space<vmem>>) attributes {dimension_semantics = [#tpu.dimension_semantics<arbitrary>, #tpu.dimension_semantics<arbitrary>], iteration_bounds = array<i64: 16, 4>, scalar_prefetch = 0 : i64, scratch_operands = 0 : i64, tpu.core_type = #tpu.core_type<tc>, window_params = [{transform_indices = @transform_0, window_bounds = array<i64: 1, 512, 64>}, {transform_indices = @transform_1, window_bounds = array<i64: 1, 2048, 64>}, {transform_indices = @transform_2, window_bounds = array<i64: 1, 2048, 64>}, {transform_indices = @transform_3, window_bounds = array<i64: 512, 64>}, {transform_indices = @transform_4, window_bounds = array<i64: 512, 64>}, {pipeline_mode = #tpu.pipeline_mode<synchronous>, transform_indices = @transform_5, window_bounds = array<i64: 2048, 64>}, {pipeline_mode = #tpu.pipeline_mode<synchronous>, transform_indices = @transform_6, window_bounds = array<i64: 2048, 64>}, {pipeline_mode = #tpu.pipeline_mode<synchronous>, transform_indices = @transform_7, window_bounds = array<i64: 64, 64>}, {transform_indices = @transform_8, window_bounds = array<i64: 1, 512, 64>}]} {
    %get3A = arith.constant 0 : index
    %get3A_0 = arith.constant 0 : index
    %get3A_1 = arith.constant 0 : index
    %get3A_2 = vector.load %arg2[%get3A, %get3A_0, %get3A_1] : memref<1x512x64xf32, #tpu.memory_space<vmem>>, vector<1x512x64xf32>
    %get3A_3 = vector.shape_cast %get3A_2 : vector<1x512x64xf32> to vector<512x64xf32>
    %get3A_4 = arith.constant 0 : index
    %get3A_5 = arith.constant 0 : index
    %get3A_6 = arith.constant 0 : index
    %get3A_7 = vector.load %arg3[%get3A_4, %get3A_5, %get3A_6] : memref<1x2048x64xf32, #tpu.memory_space<vmem>>, vector<1x2048x64xf32>
    %get3A_8 = vector.shape_cast %get3A_7 : vector<1x2048x64xf32> to vector<2048x64xf32>
    %get3A_9 = arith.constant 0 : index
    %get3A_10 = arith.constant 0 : index
    %get3A_11 = arith.constant 0 : index
    %get3A_12 = vector.load %arg4[%get3A_9, %get3A_10, %get3A_11] : memref<1x2048x64xf32, #tpu.memory_space<vmem>>, vector<1x2048x64xf32>
    %get3A_13 = vector.shape_cast %get3A_12 : vector<1x2048x64xf32> to vector<2048x64xf32>
    %get3A_14 = arith.constant 0 : index
    %get3A_15 = arith.constant 0 : index
    %get3A_16 = vector.load %arg9[%get3A_14, %get3A_15] : memref<64x64xf32, #tpu.memory_space<vmem>>, vector<64x64xf32>
    %get3A_17 = arith.constant 0 : index
    %get3A_18 = arith.constant 0 : index
    %get3A_19 = vector.load %arg5[%get3A_17, %get3A_18] : memref<512x64xf32, #tpu.memory_space<vmem>>, vector<512x64xf32>
    %mul3A = arith.mulf %get3A_3, %get3A_19 : vector<512x64xf32>
    %dot_general3A = arith.constant dense<0.000000e+00> : vector<512x64xf32>
    %dot_general3A_20 = tpu.matmul %get3A_3, %get3A_16, %dot_general3A {dimension_numbers = #tpu.dot_dimension_numbers<[1], [0], [0], [1], [0, 0, 1, 1], [], []>, transpose_lhs_hint = false} : vector<512x64xf32>, vector<64x64xf32>, vector<512x64xf32> -> vector<512x64xf32>
    %get3A_21 = arith.constant 0 : index
    %get3A_22 = arith.constant 0 : index
    %get3A_23 = vector.load %arg6[%get3A_21, %get3A_22] : memref<512x64xf32, #tpu.memory_space<vmem>>, vector<512x64xf32>
    %mul3A_24 = arith.mulf %dot_general3A_20, %get3A_23 : vector<512x64xf32>
    %add3A = arith.addf %mul3A, %mul3A_24 : vector<512x64xf32>
    %get3A_25 = arith.constant 0 : index
    %get3A_26 = arith.constant 0 : index
    %get3A_27 = vector.load %arg7[%get3A_25, %get3A_26] : memref<2048x64xf32, #tpu.memory_space<vmem>>, vector<2048x64xf32>
    %mul3A_28 = arith.mulf %get3A_8, %get3A_27 : vector<2048x64xf32>
    %dot_general3A_29 = arith.constant dense<0.000000e+00> : vector<2048x64xf32>
    %dot_general3A_30 = tpu.matmul %get3A_8, %get3A_16, %dot_general3A_29 {dimension_numbers = #tpu.dot_dimension_numbers<[1], [0], [0], [1], [0, 0, 1, 1], [], []>, transpose_lhs_hint = false} : vector<2048x64xf32>, vector<64x64xf32>, vector<2048x64xf32> -> vector<2048x64xf32>
    %get3A_31 = arith.constant 0 : index
    %get3A_32 = arith.constant 0 : index
    %get3A_33 = vector.load %arg8[%get3A_31, %get3A_32] : memref<2048x64xf32, #tpu.memory_space<vmem>>, vector<2048x64xf32>
    %mul3A_34 = arith.mulf %dot_general3A_30, %get3A_33 : vector<2048x64xf32>
    %add3A_35 = arith.addf %mul3A_28, %mul3A_34 : vector<2048x64xf32>
    %dot_general3A_36 = arith.constant dense<0.000000e+00> : vector<512x2048xf32>
    %dot_general3A_37 = tpu.matmul %add3A, %add3A_35, %dot_general3A_36 {dimension_numbers = #tpu.dot_dimension_numbers<[1], [1], [0], [0], [0, 0, 1, 0], [], []>, transpose_lhs_hint = false} : vector<512x64xf32>, vector<2048x64xf32>, vector<512x2048xf32> -> vector<512x2048xf32>
    %mul3A_38 = arith.constant 1.250000e-01 : f32
    %mul3A_39 = vector.broadcast %mul3A_38 : f32 to vector<512x2048xf32>
    %mul3A_40 = arith.mulf %dot_general3A_37, %mul3A_39 : vector<512x2048xf32>
    %mul3A_41 = arith.constant 512 : i32
    %mul3A_42 = arith.muli %arg1, %mul3A_41 : i32
    %iota3A = tpu.iota {dimensions = array<i32: 0>} : vector<512x2048xi32>
    %add3A_43 = vector.broadcast %mul3A_42 : i32 to vector<512x2048xi32>
    %add3A_44 = arith.addi %add3A_43, %iota3A : vector<512x2048xi32>
    %iota3A_45 = tpu.iota {dimensions = array<i32: 1>} : vector<512x2048xi32>
    %gt3A = arith.cmpi sgt, %iota3A_45, %add3A_44 : vector<512x2048xi32>
    %jit3A = arith.constant 0xFF800000 : f32
    %broadcast_in_dim3A = vector.broadcast %jit3A : f32 to vector<512x2048xf32>
    %select_n3A = arith.select %gt3A, %broadcast_in_dim3A, %mul3A_40 : vector<512x2048xi1>, vector<512x2048xf32>
    %reduce_max3A = arith.constant dense<0xFF800000> : vector<512xf32>
    %reduce_max3A_46 = vector.multi_reduction <maximumf>, %select_n3A, %reduce_max3A [1] : vector<512x2048xf32> to vector<512xf32>
    %broadcast_in_dim3A_47 = vector.shape_cast %reduce_max3A_46 : vector<512xf32> to vector<512x1xf32>
    %sub3A = vector.broadcast %broadcast_in_dim3A_47 : vector<512x1xf32> to vector<512x2048xf32>
    %sub3A_48 = arith.subf %select_n3A, %sub3A : vector<512x2048xf32>
    %exp3A = math.exp %sub3A_48 : vector<512x2048xf32>
    %reduce_sum3A = arith.constant dense<0.000000e+00> : vector<512xf32>
    %reduce_sum3A_49 = vector.multi_reduction <add>, %exp3A, %reduce_sum3A [1] : vector<512x2048xf32> to vector<512xf32>
    %broadcast_in_dim3A_50 = vector.shape_cast %reduce_sum3A_49 : vector<512xf32> to vector<512x1xf32>
    %div3A = vector.broadcast %broadcast_in_dim3A_50 : vector<512x1xf32> to vector<512x2048xf32>
    %div3A_51 = arith.divf %exp3A, %div3A : vector<512x2048xf32>
    %dot_general3A_52 = arith.constant dense<0.000000e+00> : vector<512x64xf32>
    %dot_general3A_53 = tpu.matmul %div3A_51, %get3A_13, %dot_general3A_52 {dimension_numbers = #tpu.dot_dimension_numbers<[1], [0], [0], [1], [0, 0, 1, 1], [], []>, transpose_lhs_hint = false} : vector<512x2048xf32>, vector<2048x64xf32>, vector<512x64xf32> -> vector<512x64xf32>
    %swap3A = arith.constant 0 : index
    %swap3A_54 = arith.constant 0 : index
    %swap3A_55 = arith.constant 0 : index
    %swap3A_56 = vector.load %arg10[%swap3A, %swap3A_54, %swap3A_55] : memref<1x512x64xf32, #tpu.memory_space<vmem>>, vector<1x512x64xf32>
    %swap3A_57 = vector.shape_cast %swap3A_56 : vector<1x512x64xf32> to vector<512x64xf32>
    %swap3A_58 = vector.shape_cast %dot_general3A_53 : vector<512x64xf32> to vector<1x512x64xf32>
    tpu.vector_store %arg10[%swap3A, %swap3A_54, %swap3A_55], %swap3A_58 {strides = array<i32>} : memref<1x512x64xf32, #tpu.memory_space<vmem>>, vector<1x512x64xf32>,
    return
  }
  func.func @transform_0(%arg0: i32, %arg1: i32) -> (i32, i32, i32) {
    %c0_i32 = arith.constant 0 : i32
    %c0_i32_0 = arith.constant 0 : i32
    return %arg0, %arg1, %c0_i32 : i32, i32, i32
  }
  func.func @transform_1(%arg0: i32, %arg1: i32) -> (i32, i32, i32) {
    %c0_i32 = arith.constant 0 : i32
    %c0_i32_0 = arith.constant 0 : i32
    %c0_i32_1 = arith.constant 0 : i32
    return %arg0, %c0_i32, %c0_i32_0 : i32, i32, i32
  }
  func.func @transform_2(%arg0: i32, %arg1: i32) -> (i32, i32, i32) {
    %c0_i32 = arith.constant 0 : i32
    %c0_i32_0 = arith.constant 0 : i32
    %c0_i32_1 = arith.constant 0 : i32
    return %arg0, %c0_i32, %c0_i32_0 : i32, i32, i32
  }
  func.func @transform_3(%arg0: i32, %arg1: i32) -> (i32, i32) {
    %c0_i32 = arith.constant 0 : i32
    %c0_i32_0 = arith.constant 0 : i32
    return %arg1, %c0_i32 : i32, i32
  }
  func.func @transform_4(%arg0: i32, %arg1: i32) -> (i32, i32) {
    %c0_i32 = arith.constant 0 : i32
    %c0_i32_0 = arith.constant 0 : i32
    return %arg1, %c0_i32 : i32, i32
  }
  func.func @transform_5(%arg0: i32, %arg1: i32) -> (i32, i32) {
    %c0_i32 = arith.constant 0 : i32
    %c0_i32_0 = arith.constant 0 : i32
    %c0_i32_1 = arith.constant 0 : i32
    return %c0_i32, %c0_i32_0 : i32, i32
  }
  func.func @transform_6(%arg0: i32, %arg1: i32) -> (i32, i32) {
    %c0_i32 = arith.constant 0 : i32
    %c0_i32_0 = arith.constant 0 : i32
    %c0_i32_1 = arith.constant 0 : i32
    return %c0_i32, %c0_i32_0 : i32, i32
  }
  func.func @transform_7(%arg0: i32, %arg1: i32) -> (i32, i32) {
    %c0_i32 = arith.constant 0 : i32
    %c0_i32_0 = arith.constant 0 : i32
    %c0_i32_1 = arith.constant 0 : i32
    return %c0_i32, %c0_i32_0 : i32, i32
  }
  func.func @transform_8(%arg0: i32, %arg1: i32) -> (i32, i32, i32) {
    %c0_i32 = arith.constant 0 : i32
    %c0_i32_0 = arith.constant 0 : i32
    return %arg0, %arg1, %c0_i32 : i32, i32, i32
  }
}

module attributes {stable_mosaic.version = 14 : i64} {
  func.func @_proj_body(%arg0: i32, %arg1: memref<512x1024xf32, #tpu.memory_space<vmem>>, %arg2: memref<512x1024xf32, #tpu.memory_space<vmem>>, %arg3: memref<1024x1024xf32, #tpu.memory_space<vmem>>, %arg4: memref<1x1024xf32, #tpu.memory_space<vmem>>, %arg5: memref<512x1024xf32, #tpu.memory_space<vmem>>, %arg6: memref<512x1024xf32, #tpu.memory_space<vmem>>) attributes {dimension_semantics = [#tpu.dimension_semantics<arbitrary>], iteration_bounds = array<i64: 4>, scalar_prefetch = 0 : i64, scratch_operands = 0 : i64, tpu.core_type = #tpu.core_type<tc>, window_params = [{transform_indices = @transform_0, window_bounds = array<i64: 512, 1024>}, {transform_indices = @transform_1, window_bounds = array<i64: 512, 1024>}, {pipeline_mode = #tpu.pipeline_mode<synchronous>, transform_indices = @transform_2, window_bounds = array<i64: 1024, 1024>}, {pipeline_mode = #tpu.pipeline_mode<synchronous>, transform_indices = @transform_3, window_bounds = array<i64: 1, 1024>}, {transform_indices = @transform_4, window_bounds = array<i64: 512, 1024>}, {transform_indices = @transform_5, window_bounds = array<i64: 512, 1024>}]} {
    %get3A = arith.constant 0 : index
    %get3A_0 = arith.constant 0 : index
    %get3A_1 = vector.load %arg1[%get3A, %get3A_0] : memref<512x1024xf32, #tpu.memory_space<vmem>>, vector<512x1024xf32>
    %get3A_2 = arith.constant 0 : index
    %get3A_3 = arith.constant 0 : index
    %get3A_4 = vector.load %arg2[%get3A_2, %get3A_3] : memref<512x1024xf32, #tpu.memory_space<vmem>>, vector<512x1024xf32>
    %get3A_5 = arith.constant 0 : index
    %get3A_6 = arith.constant 0 : index
    %get3A_7 = vector.load %arg3[%get3A_5, %get3A_6] : memref<1024x1024xf32, #tpu.memory_space<vmem>>, vector<1024x1024xf32>
    %dot_general3A = arith.constant dense<0.000000e+00> : vector<512x1024xf32>
    %dot_general3A_8 = tpu.matmul %get3A_4, %get3A_7, %dot_general3A {dimension_numbers = #tpu.dot_dimension_numbers<[1], [0], [0], [1], [0, 0, 1, 1], [], []>, transpose_lhs_hint = false} : vector<512x1024xf32>, vector<1024x1024xf32>, vector<512x1024xf32> -> vector<512x1024xf32>
    %add3A = arith.addf %get3A_1, %dot_general3A_8 : vector<512x1024xf32>
    %swap3A = arith.constant 0 : index
    %swap3A_9 = arith.constant 0 : index
    %swap3A_10 = vector.load %arg5[%swap3A, %swap3A_9] : memref<512x1024xf32, #tpu.memory_space<vmem>>, vector<512x1024xf32>
    tpu.vector_store %arg5[%swap3A, %swap3A_9], %add3A {strides = array<i32>} : memref<512x1024xf32, #tpu.memory_space<vmem>>, vector<512x1024xf32>,
    %mul3A = arith.mulf %add3A, %add3A : vector<512x1024xf32>
    %reduce_sum3A = arith.constant dense<0.000000e+00> : vector<512xf32>
    %reduce_sum3A_11 = vector.multi_reduction <add>, %mul3A, %reduce_sum3A [1] : vector<512x1024xf32> to vector<512xf32>
    %broadcast_in_dim3A = vector.shape_cast %reduce_sum3A_11 : vector<512xf32> to vector<512x1xf32>
    %div3A = arith.constant 1.024000e+03 : f32
    %div3A_12 = vector.broadcast %div3A : f32 to vector<512x1xf32>
    %div3A_13 = arith.divf %broadcast_in_dim3A, %div3A_12 : vector<512x1xf32>
    %add3A_14 = arith.constant 9.99999997E-7 : f32
    %add3A_15 = vector.broadcast %add3A_14 : f32 to vector<512x1xf32>
    %add3A_16 = arith.addf %div3A_13, %add3A_15 : vector<512x1xf32>
    %rsqrt3A = math.rsqrt %add3A_16 : vector<512x1xf32>
    %mul3A_17 = vector.broadcast %rsqrt3A : vector<512x1xf32> to vector<512x1024xf32>
    %mul3A_18 = arith.mulf %add3A, %mul3A_17 : vector<512x1024xf32>
    %get3A_19 = arith.constant 0 : index
    %get3A_20 = arith.constant 0 : index
    %get3A_21 = vector.load %arg4[%get3A_19, %get3A_20] : memref<1x1024xf32, #tpu.memory_space<vmem>>, vector<1x1024xf32>
    %mul3A_22 = vector.broadcast %get3A_21 : vector<1x1024xf32> to vector<512x1024xf32>
    %mul3A_23 = arith.mulf %mul3A_18, %mul3A_22 : vector<512x1024xf32>
    %swap3A_24 = arith.constant 0 : index
    %swap3A_25 = arith.constant 0 : index
    %swap3A_26 = vector.load %arg6[%swap3A_24, %swap3A_25] : memref<512x1024xf32, #tpu.memory_space<vmem>>, vector<512x1024xf32>
    tpu.vector_store %arg6[%swap3A_24, %swap3A_25], %mul3A_23 {strides = array<i32>} : memref<512x1024xf32, #tpu.memory_space<vmem>>, vector<512x1024xf32>,
    return
  }
  func.func @transform_0(%arg0: i32) -> (i32, i32) {
    %c0_i32 = arith.constant 0 : i32
    %c0_i32_0 = arith.constant 0 : i32
    return %arg0, %c0_i32 : i32, i32
  }
  func.func @transform_1(%arg0: i32) -> (i32, i32) {
    %c0_i32 = arith.constant 0 : i32
    %c0_i32_0 = arith.constant 0 : i32
    return %arg0, %c0_i32 : i32, i32
  }
  func.func @transform_2(%arg0: i32) -> (i32, i32) {
    %c0_i32 = arith.constant 0 : i32
    %c0_i32_0 = arith.constant 0 : i32
    %c0_i32_1 = arith.constant 0 : i32
    return %c0_i32, %c0_i32_0 : i32, i32
  }
  func.func @transform_3(%arg0: i32) -> (i32, i32) {
    %c0_i32 = arith.constant 0 : i32
    %c0_i32_0 = arith.constant 0 : i32
    %c0_i32_1 = arith.constant 0 : i32
    return %c0_i32, %c0_i32_0 : i32, i32
  }
  func.func @transform_4(%arg0: i32) -> (i32, i32) {
    %c0_i32 = arith.constant 0 : i32
    %c0_i32_0 = arith.constant 0 : i32
    return %arg0, %c0_i32 : i32, i32
  }
  func.func @transform_5(%arg0: i32) -> (i32, i32) {
    %c0_i32 = arith.constant 0 : i32
    %c0_i32_0 = arith.constant 0 : i32
    return %arg0, %c0_i32 : i32, i32
  }
}

module attributes {stable_mosaic.version = 14 : i64} {
  func.func @_router_body(%arg0: i32, %arg1: memref<2048x1024xf32, #tpu.memory_space<vmem>>, %arg2: memref<1024x8xf32, #tpu.memory_space<vmem>>, %arg3: memref<2048x2048xf32, #tpu.memory_space<vmem>>, %arg4: memref<8x2048xi32, #tpu.memory_space<vmem>>, %arg5: memref<8x2048xi32, #tpu.memory_space<vmem>>, %arg6: memref<2048x128xf32, #tpu.memory_space<vmem>>, %arg7: memref<2048x128xf32, #tpu.memory_space<vmem>>, %arg8: memref<8x128xi32, #tpu.memory_space<vmem>>, %arg9: memref<8x128xf32, #tpu.memory_space<vmem>>) attributes {dimension_semantics = [#tpu.dimension_semantics<arbitrary>], iteration_bounds = array<i64: 1>, scalar_prefetch = 0 : i64, scratch_operands = 0 : i64, tpu.core_type = #tpu.core_type<tc>, window_params = [{pipeline_mode = #tpu.pipeline_mode<synchronous>, transform_indices = @transform_0, window_bounds = array<i64: 2048, 1024>}, {pipeline_mode = #tpu.pipeline_mode<synchronous>, transform_indices = @transform_1, window_bounds = array<i64: 1024, 8>}, {pipeline_mode = #tpu.pipeline_mode<synchronous>, transform_indices = @transform_2, window_bounds = array<i64: 2048, 2048>}, {pipeline_mode = #tpu.pipeline_mode<synchronous>, transform_indices = @transform_3, window_bounds = array<i64: 8, 2048>}, {pipeline_mode = #tpu.pipeline_mode<synchronous>, transform_indices = @transform_4, window_bounds = array<i64: 8, 2048>}, {pipeline_mode = #tpu.pipeline_mode<synchronous>, transform_indices = @transform_5, window_bounds = array<i64: 2048, 128>}, {pipeline_mode = #tpu.pipeline_mode<synchronous>, transform_indices = @transform_6, window_bounds = array<i64: 2048, 128>}, {pipeline_mode = #tpu.pipeline_mode<synchronous>, transform_indices = @transform_7, window_bounds = array<i64: 8, 128>}, {pipeline_mode = #tpu.pipeline_mode<synchronous>, transform_indices = @transform_8, window_bounds = array<i64: 8, 128>}]} {
    %get3A = arith.constant 0 : index
    %get3A_0 = arith.constant 0 : index
    %get3A_1 = vector.load %arg1[%get3A, %get3A_0] : memref<2048x1024xf32, #tpu.memory_space<vmem>>, vector<2048x1024xf32>
    %get3A_2 = arith.constant 0 : index
    %get3A_3 = arith.constant 0 : index
    %get3A_4 = vector.load %arg2[%get3A_2, %get3A_3] : memref<1024x8xf32, #tpu.memory_space<vmem>>, vector<1024x8xf32>
    %dot_general3A = arith.constant dense<0.000000e+00> : vector<2048x8xf32>
    %dot_general3A_5 = tpu.matmul %get3A_1, %get3A_4, %dot_general3A {dimension_numbers = #tpu.dot_dimension_numbers<[1], [0], [0], [1], [0, 0, 1, 1], [], []>, transpose_lhs_hint = false} : vector<2048x1024xf32>, vector<1024x8xf32>, vector<2048x8xf32> -> vector<2048x8xf32>
    %reduce_max3A = arith.constant dense<0xFF800000> : vector<2048xf32>
    %reduce_max3A_6 = vector.multi_reduction <maximumf>, %dot_general3A_5, %reduce_max3A [1] : vector<2048x8xf32> to vector<2048xf32>
    %broadcast_in_dim3A = vector.shape_cast %reduce_max3A_6 : vector<2048xf32> to vector<2048x1xf32>
    %sub3A = vector.broadcast %broadcast_in_dim3A : vector<2048x1xf32> to vector<2048x8xf32>
    %sub3A_7 = arith.subf %dot_general3A_5, %sub3A : vector<2048x8xf32>
    %exp3A = math.exp %sub3A_7 : vector<2048x8xf32>
    %reduce_sum3A = arith.constant dense<0.000000e+00> : vector<2048xf32>
    %reduce_sum3A_8 = vector.multi_reduction <add>, %exp3A, %reduce_sum3A [1] : vector<2048x8xf32> to vector<2048xf32>
    %broadcast_in_dim3A_9 = vector.shape_cast %reduce_sum3A_8 : vector<2048xf32> to vector<2048x1xf32>
    %div3A = vector.broadcast %broadcast_in_dim3A_9 : vector<2048x1xf32> to vector<2048x8xf32>
    %div3A_10 = arith.divf %exp3A, %div3A : vector<2048x8xf32>
    %iota3A = tpu.iota {dimensions = array<i32: 1>} : vector<2048x8xi32>
    %argmax3A = tpu.reduce_index %div3A_10 {axis = 1 : i32, kind = #tpu.reduction_kind<arg_max>} : vector<2048x8xf32> -> vector<2048xi32>
    %broadcast_in_dim3A_11 = vector.shape_cast %argmax3A : vector<2048xi32> to vector<2048x1xi32>
    %reduce_max3A_12 = arith.constant dense<0xFF800000> : vector<2048xf32>
    %reduce_max3A_13 = vector.multi_reduction <maximumf>, %div3A_10, %reduce_max3A_12 [1] : vector<2048x8xf32> to vector<2048xf32>
    %broadcast_in_dim3A_14 = vector.shape_cast %reduce_max3A_13 : vector<2048xf32> to vector<2048x1xf32>
    %eq3A = vector.broadcast %broadcast_in_dim3A_11 : vector<2048x1xi32> to vector<2048x8xi32>
    %eq3A_15 = arith.cmpi eq, %iota3A, %eq3A : vector<2048x8xi32>
    %jit3A = arith.constant 0xFF800000 : f32
    %broadcast_in_dim3A_16 = vector.broadcast %jit3A : f32 to vector<2048x8xf32>
    %select_n3A = arith.select %eq3A_15, %broadcast_in_dim3A_16, %div3A_10 : vector<2048x8xi1>, vector<2048x8xf32>
    %argmax3A_17 = tpu.reduce_index %select_n3A {axis = 1 : i32, kind = #tpu.reduction_kind<arg_max>} : vector<2048x8xf32> -> vector<2048xi32>
    %broadcast_in_dim3A_18 = vector.shape_cast %argmax3A_17 : vector<2048xi32> to vector<2048x1xi32>
    %reduce_max3A_19 = arith.constant dense<0xFF800000> : vector<2048xf32>
    %reduce_max3A_20 = vector.multi_reduction <maximumf>, %select_n3A, %reduce_max3A_19 [1] : vector<2048x8xf32> to vector<2048xf32>
    %broadcast_in_dim3A_21 = vector.shape_cast %reduce_max3A_20 : vector<2048xf32> to vector<2048x1xf32>
    %sub3A_22 = arith.subf %broadcast_in_dim3A_21, %broadcast_in_dim3A_14 : vector<2048x1xf32>
    %exp3A_23 = math.exp %sub3A_22 : vector<2048x1xf32>
    %add3A = arith.constant 1.000000e+00 : f32
    %add3A_24 = vector.broadcast %add3A : f32 to vector<2048x1xf32>
    %add3A_25 = arith.addf %add3A_24, %exp3A_23 : vector<2048x1xf32>
    %div3A_26 = arith.constant 1.000000e+00 : f32
    %div3A_27 = vector.broadcast %div3A_26 : f32 to vector<2048x1xf32>
    %div3A_28 = arith.divf %div3A_27, %add3A_25 : vector<2048x1xf32>
    %add3A_29 = arith.constant 1.000000e+00 : f32
    %add3A_30 = vector.broadcast %add3A_29 : f32 to vector<2048x1xf32>
    %add3A_31 = arith.addf %add3A_30, %exp3A_23 : vector<2048x1xf32>
    %div3A_32 = arith.divf %exp3A_23, %add3A_31 : vector<2048x1xf32>
    %eq3A_33 = vector.broadcast %broadcast_in_dim3A_11 : vector<2048x1xi32> to vector<2048x8xi32>
    %eq3A_34 = arith.cmpi eq, %iota3A, %eq3A_33 : vector<2048x8xi32>
    %convert_element_type3A = arith.extui %eq3A_34 : vector<2048x8xi1> to vector<2048x8xi32>
    %convert_element_type3A_35 = arith.sitofp %convert_element_type3A : vector<2048x8xi32> to vector<2048x8xf32>
    %eq3A_36 = vector.broadcast %broadcast_in_dim3A_18 : vector<2048x1xi32> to vector<2048x8xi32>
    %eq3A_37 = arith.cmpi eq, %iota3A, %eq3A_36 : vector<2048x8xi32>
    %convert_element_type3A_38 = arith.extui %eq3A_37 : vector<2048x8xi1> to vector<2048x8xi32>
    %convert_element_type3A_39 = arith.sitofp %convert_element_type3A_38 : vector<2048x8xi32> to vector<2048x8xf32>
    %get3A_40 = arith.constant 0 : index
    %get3A_41 = arith.constant 0 : index
    %get3A_42 = vector.load %arg3[%get3A_40, %get3A_41] : memref<2048x2048xf32, #tpu.memory_space<vmem>>, vector<2048x2048xf32>
    %dot_general3A_43 = arith.constant dense<0.000000e+00> : vector<2048x8xf32>
    %dot_general3A_44 = tpu.matmul %get3A_42, %convert_element_type3A_35, %dot_general3A_43 {dimension_numbers = #tpu.dot_dimension_numbers<[1], [0], [0], [1], [0, 0, 1, 1], [], []>, transpose_lhs_hint = false} : vector<2048x2048xf32>, vector<2048x8xf32>, vector<2048x8xf32> -> vector<2048x8xf32>
    %dot_general3A_45 = arith.constant dense<0.000000e+00> : vector<2048x8xf32>
    %dot_general3A_46 = tpu.matmul %get3A_42, %convert_element_type3A_39, %dot_general3A_45 {dimension_numbers = #tpu.dot_dimension_numbers<[1], [0], [0], [1], [0, 0, 1, 1], [], []>, transpose_lhs_hint = false} : vector<2048x2048xf32>, vector<2048x8xf32>, vector<2048x8xf32> -> vector<2048x8xf32>
    %mul3A = arith.mulf %convert_element_type3A_35, %dot_general3A_44 : vector<2048x8xf32>
    %reduce_sum3A_47 = arith.constant dense<0.000000e+00> : vector<2048xf32>
    %reduce_sum3A_48 = vector.multi_reduction <add>, %mul3A, %reduce_sum3A_47 [1] : vector<2048x8xf32> to vector<2048xf32>
    %broadcast_in_dim3A_49 = vector.shape_cast %reduce_sum3A_48 : vector<2048xf32> to vector<2048x1xf32>
    %sub3A_50 = arith.constant 1.000000e+00 : f32
    %sub3A_51 = vector.broadcast %sub3A_50 : f32 to vector<2048x1xf32>
    %sub3A_52 = arith.subf %broadcast_in_dim3A_49, %sub3A_51 : vector<2048x1xf32>
    %mul3A_53 = arith.mulf %convert_element_type3A_39, %dot_general3A_46 : vector<2048x8xf32>
    %reduce_sum3A_54 = arith.constant dense<0.000000e+00> : vector<2048xf32>
    %reduce_sum3A_55 = vector.multi_reduction <add>, %mul3A_53, %reduce_sum3A_54 [1] : vector<2048x8xf32> to vector<2048xf32>
    %broadcast_in_dim3A_56 = vector.shape_cast %reduce_sum3A_55 : vector<2048xf32> to vector<2048x1xf32>
    %sub3A_57 = arith.constant 1.000000e+00 : f32
    %sub3A_58 = vector.broadcast %sub3A_57 : f32 to vector<2048x1xf32>
    %sub3A_59 = arith.subf %broadcast_in_dim3A_56, %sub3A_58 : vector<2048x1xf32>
    %slice3A = vector.extract_strided_slice %dot_general3A_44 {offsets = [2047, 0], sizes = [1, 8], strides = [1, 1]} : vector<2048x8xf32> to vector<1x8xf32>
    %slice3A_60 = vector.extract_strided_slice %dot_general3A_46 {offsets = [2047, 0], sizes = [1, 8], strides = [1, 1]} : vector<2048x8xf32> to vector<1x8xf32>
    %add3A_61 = arith.addf %slice3A, %slice3A_60 : vector<1x8xf32>
    %iota3A_62 = tpu.iota {dimensions = array<i32: 0>} : vector<8x8xi32>
    %iota3A_63 = tpu.iota {dimensions = array<i32: 1>} : vector<8x8xi32>
    %lt3A = arith.cmpi slt, %iota3A_62, %iota3A_63 : vector<8x8xi32>
    %convert_element_type3A_64 = arith.extui %lt3A : vector<8x8xi1> to vector<8x8xi32>
    %convert_element_type3A_65 = arith.sitofp %convert_element_type3A_64 : vector<8x8xi32> to vector<8x8xf32>
    %mul3A_66 = arith.constant 6.250000e-02 : f32
    %mul3A_67 = vector.broadcast %mul3A_66 : f32 to vector<1x8xf32>
    %mul3A_68 = arith.mulf %add3A_61, %mul3A_67 : vector<1x8xf32>
    %floor3A = math.floor %mul3A_68 : vector<1x8xf32>
    %mul3A_69 = arith.constant 1.600000e+01 : f32
    %mul3A_70 = vector.broadcast %mul3A_69 : f32 to vector<1x8xf32>
    %mul3A_71 = arith.mulf %mul3A_70, %floor3A : vector<1x8xf32>
    %sub3A_72 = arith.subf %add3A_61, %mul3A_71 : vector<1x8xf32>
    %dot_general3A_73 = arith.constant dense<0.000000e+00> : vector<1x8xf32>
    %dot_general3A_74 = tpu.matmul %floor3A, %convert_element_type3A_65, %dot_general3A_73 {dimension_numbers = #tpu.dot_dimension_numbers<[1], [0], [0], [1], [0, 0, 1, 1], [], []>, transpose_lhs_hint = false} : vector<1x8xf32>, vector<8x8xf32>, vector<1x8xf32> -> vector<1x8xf32>
    %mul3A_75 = arith.constant 1.600000e+01 : f32
    %mul3A_76 = vector.broadcast %mul3A_75 : f32 to vector<1x8xf32>
    %mul3A_77 = arith.mulf %mul3A_76, %dot_general3A_74 : vector<1x8xf32>
    %dot_general3A_78 = arith.constant dense<0.000000e+00> : vector<1x8xf32>
    %dot_general3A_79 = tpu.matmul %sub3A_72, %convert_element_type3A_65, %dot_general3A_78 {dimension_numbers = #tpu.dot_dimension_numbers<[1], [0], [0], [1], [0, 0, 1, 1], [], []>, transpose_lhs_hint = false} : vector<1x8xf32>, vector<8x8xf32>, vector<1x8xf32> -> vector<1x8xf32>
    %add3A_80 = arith.addf %mul3A_77, %dot_general3A_79 : vector<1x8xf32>
    %mul3A_81 = vector.broadcast %add3A_80 : vector<1x8xf32> to vector<2048x8xf32>
    %mul3A_82 = arith.mulf %convert_element_type3A_35, %mul3A_81 : vector<2048x8xf32>
    %reduce_sum3A_83 = arith.constant dense<0.000000e+00> : vector<2048xf32>
    %reduce_sum3A_84 = vector.multi_reduction <add>, %mul3A_82, %reduce_sum3A_83 [1] : vector<2048x8xf32> to vector<2048xf32>
    %broadcast_in_dim3A_85 = vector.shape_cast %reduce_sum3A_84 : vector<2048xf32> to vector<2048x1xf32>
    %add3A_86 = arith.addf %broadcast_in_dim3A_85, %sub3A_52 : vector<2048x1xf32>
    %add3A_87 = arith.addf %add3A_80, %slice3A : vector<1x8xf32>
    %mul3A_88 = vector.broadcast %add3A_87 : vector<1x8xf32> to vector<2048x8xf32>
    %mul3A_89 = arith.mulf %convert_element_type3A_39, %mul3A_88 : vector<2048x8xf32>
    %reduce_sum3A_90 = arith.constant dense<0.000000e+00> : vector<2048xf32>
    %reduce_sum3A_91 = vector.multi_reduction <add>, %mul3A_89, %reduce_sum3A_90 [1] : vector<2048x8xf32> to vector<2048xf32>
    %broadcast_in_dim3A_92 = vector.shape_cast %reduce_sum3A_91 : vector<2048xf32> to vector<2048x1xf32>
    %add3A_93 = arith.addf %broadcast_in_dim3A_92, %sub3A_59 : vector<2048x1xf32>
    %broadcast_in_dim3A_94 = arith.constant 0.000000e+00 : f32
    %broadcast_in_dim3A_95 = vector.broadcast %broadcast_in_dim3A_94 : f32 to vector<1x1xf32>
    %mul3A_96 = arith.constant 6.250000e-02 : f32
    %mul3A_97 = vector.broadcast %mul3A_96 : f32 to vector<2048x1xf32>
    %mul3A_98 = arith.mulf %add3A_86, %mul3A_97 : vector<2048x1xf32>
    %floor3A_99 = math.floor %mul3A_98 : vector<2048x1xf32>
    %mul3A_100 = arith.constant 1.600000e+01 : f32
    %mul3A_101 = vector.broadcast %mul3A_100 : f32 to vector<2048x1xf32>
    %mul3A_102 = arith.mulf %mul3A_101, %floor3A_99 : vector<2048x1xf32>
    %sub3A_103 = arith.subf %add3A_86, %mul3A_102 : vector<2048x1xf32>
    %dot_general3A_104 = arith.constant dense<0.000000e+00> : vector<1x2048xf32>
    %dot_general3A_105 = tpu.matmul %floor3A_99, %get3A_42, %dot_general3A_104 {dimension_numbers = #tpu.dot_dimension_numbers<[0], [0], [1], [1], [0, 1, 1, 1], [], []>, transpose_lhs_hint = false} : vector<2048x1xf32>, vector<2048x2048xf32>, vector<1x2048xf32> -> vector<1x2048xf32>
    %dot_general3A_106 = arith.constant dense<0.000000e+00> : vector<1x2048xf32>
    %dot_general3A_107 = tpu.matmul %sub3A_103, %get3A_42, %dot_general3A_106 {dimension_numbers = #tpu.dot_dimension_numbers<[0], [0], [1], [1], [0, 1, 1, 1], [], []>, transpose_lhs_hint = false} : vector<2048x1xf32>, vector<2048x2048xf32>, vector<1x2048xf32> -> vector<1x2048xf32>
    %mul3A_108 = arith.constant 1.600000e+01 : f32
    %mul3A_109 = vector.broadcast %mul3A_108 : f32 to vector<1x2048xf32>
    %mul3A_110 = arith.mulf %mul3A_109, %dot_general3A_105 : vector<1x2048xf32>
    %add3A_111 = arith.addf %mul3A_110, %dot_general3A_107 : vector<1x2048xf32>
    %slice3A_112 = vector.extract_strided_slice %add3A_111 {offsets = [0, 1], sizes = [1, 2047], strides = [1, 1]} : vector<1x2048xf32> to vector<1x2047xf32>
    %concatenate3A = tpu.concatenate %slice3A_112, %broadcast_in_dim3A_95 in 1 : vector<1x2047xf32>, vector<1x1xf32> -> vector<1x2048xf32>
    %sub3A_113 = arith.subf %add3A_111, %concatenate3A : vector<1x2048xf32>
    %convert_element_type3A_114 = arith.fptosi %sub3A_113 : vector<1x2048xf32> to vector<1x2048xi32>
    %broadcast_in_dim3A_115 = vector.shape_cast %convert_element_type3A_114 : vector<1x2048xi32> to vector<1x2048xi32>
    %broadcast_in_dim3A_116 = vector.broadcast %broadcast_in_dim3A_115 : vector<1x2048xi32> to vector<8x2048xi32>
    %swap3A = arith.constant 0 : index
    %swap3A_117 = arith.constant 0 : index
    %swap3A_118 = vector.load %arg4[%swap3A, %swap3A_117] : memref<8x2048xi32, #tpu.memory_space<vmem>>, vector<8x2048xi32>
    tpu.vector_store %arg4[%swap3A, %swap3A_117], %broadcast_in_dim3A_116 {strides = array<i32>} : memref<8x2048xi32, #tpu.memory_space<vmem>>, vector<8x2048xi32>,
    %mul3A_119 = arith.constant 6.250000e-02 : f32
    %mul3A_120 = vector.broadcast %mul3A_119 : f32 to vector<2048x1xf32>
    %mul3A_121 = arith.mulf %add3A_93, %mul3A_120 : vector<2048x1xf32>
    %floor3A_122 = math.floor %mul3A_121 : vector<2048x1xf32>
    %mul3A_123 = arith.constant 1.600000e+01 : f32
    %mul3A_124 = vector.broadcast %mul3A_123 : f32 to vector<2048x1xf32>
    %mul3A_125 = arith.mulf %mul3A_124, %floor3A_122 : vector<2048x1xf32>
    %sub3A_126 = arith.subf %add3A_93, %mul3A_125 : vector<2048x1xf32>
    %dot_general3A_127 = arith.constant dense<0.000000e+00> : vector<1x2048xf32>
    %dot_general3A_128 = tpu.matmul %floor3A_122, %get3A_42, %dot_general3A_127 {dimension_numbers = #tpu.dot_dimension_numbers<[0], [0], [1], [1], [0, 1, 1, 1], [], []>, transpose_lhs_hint = false} : vector<2048x1xf32>, vector<2048x2048xf32>, vector<1x2048xf32> -> vector<1x2048xf32>
    %dot_general3A_129 = arith.constant dense<0.000000e+00> : vector<1x2048xf32>
    %dot_general3A_130 = tpu.matmul %sub3A_126, %get3A_42, %dot_general3A_129 {dimension_numbers = #tpu.dot_dimension_numbers<[0], [0], [1], [1], [0, 1, 1, 1], [], []>, transpose_lhs_hint = false} : vector<2048x1xf32>, vector<2048x2048xf32>, vector<1x2048xf32> -> vector<1x2048xf32>
    %mul3A_131 = arith.constant 1.600000e+01 : f32
    %mul3A_132 = vector.broadcast %mul3A_131 : f32 to vector<1x2048xf32>
    %mul3A_133 = arith.mulf %mul3A_132, %dot_general3A_128 : vector<1x2048xf32>
    %add3A_134 = arith.addf %mul3A_133, %dot_general3A_130 : vector<1x2048xf32>
    %slice3A_135 = vector.extract_strided_slice %add3A_134 {offsets = [0, 1], sizes = [1, 2047], strides = [1, 1]} : vector<1x2048xf32> to vector<1x2047xf32>
    %concatenate3A_136 = tpu.concatenate %slice3A_135, %broadcast_in_dim3A_95 in 1 : vector<1x2047xf32>, vector<1x1xf32> -> vector<1x2048xf32>
    %sub3A_137 = arith.subf %add3A_134, %concatenate3A_136 : vector<1x2048xf32>
    %convert_element_type3A_138 = arith.fptosi %sub3A_137 : vector<1x2048xf32> to vector<1x2048xi32>
    %broadcast_in_dim3A_139 = vector.shape_cast %convert_element_type3A_138 : vector<1x2048xi32> to vector<1x2048xi32>
    %broadcast_in_dim3A_140 = vector.broadcast %broadcast_in_dim3A_139 : vector<1x2048xi32> to vector<8x2048xi32>
    %swap3A_141 = arith.constant 0 : index
    %swap3A_142 = arith.constant 0 : index
    %swap3A_143 = vector.load %arg5[%swap3A_141, %swap3A_142] : memref<8x2048xi32, #tpu.memory_space<vmem>>, vector<8x2048xi32>
    tpu.vector_store %arg5[%swap3A_141, %swap3A_142], %broadcast_in_dim3A_140 {strides = array<i32>} : memref<8x2048xi32, #tpu.memory_space<vmem>>, vector<8x2048xi32>,
    %broadcast_in_dim3A_144 = vector.shape_cast %div3A_28 : vector<2048x1xf32> to vector<2048x1xf32>
    %broadcast_in_dim3A_145 = vector.broadcast %broadcast_in_dim3A_144 : vector<2048x1xf32> to vector<2048x128xf32>
    %swap3A_146 = arith.constant 0 : index
    %swap3A_147 = arith.constant 0 : index
    %swap3A_148 = vector.load %arg6[%swap3A_146, %swap3A_147] : memref<2048x128xf32, #tpu.memory_space<vmem>>, vector<2048x128xf32>
    tpu.vector_store %arg6[%swap3A_146, %swap3A_147], %broadcast_in_dim3A_145 {strides = array<i32>} : memref<2048x128xf32, #tpu.memory_space<vmem>>, vector<2048x128xf32>,
    %broadcast_in_dim3A_149 = vector.shape_cast %div3A_32 : vector<2048x1xf32> to vector<2048x1xf32>
    %broadcast_in_dim3A_150 = vector.broadcast %broadcast_in_dim3A_149 : vector<2048x1xf32> to vector<2048x128xf32>
    %swap3A_151 = arith.constant 0 : index
    %swap3A_152 = arith.constant 0 : index
    %swap3A_153 = vector.load %arg7[%swap3A_151, %swap3A_152] : memref<2048x128xf32, #tpu.memory_space<vmem>>, vector<2048x128xf32>
    tpu.vector_store %arg7[%swap3A_151, %swap3A_152], %broadcast_in_dim3A_150 {strides = array<i32>} : memref<2048x128xf32, #tpu.memory_space<vmem>>, vector<2048x128xf32>,
    %eq3A_154 = arith.cmpi eq, %iota3A_62, %iota3A_63 : vector<8x8xi32>
    %convert_element_type3A_155 = arith.extui %eq3A_154 : vector<8x8xi1> to vector<8x8xi32>
    %convert_element_type3A_156 = arith.sitofp %convert_element_type3A_155 : vector<8x8xi32> to vector<8x8xf32>
    %mul3A_157 = arith.constant 6.250000e-02 : f32
    %mul3A_158 = vector.broadcast %mul3A_157 : f32 to vector<1x8xf32>
    %mul3A_159 = arith.mulf %add3A_80, %mul3A_158 : vector<1x8xf32>
    %floor3A_160 = math.floor %mul3A_159 : vector<1x8xf32>
    %mul3A_161 = arith.constant 1.600000e+01 : f32
    %mul3A_162 = vector.broadcast %mul3A_161 : f32 to vector<1x8xf32>
    %mul3A_163 = arith.mulf %mul3A_162, %floor3A_160 : vector<1x8xf32>
    %sub3A_164 = arith.subf %add3A_80, %mul3A_163 : vector<1x8xf32>
    %dot_general3A_165 = arith.constant dense<0.000000e+00> : vector<8x1xf32>
    %dot_general3A_166 = tpu.matmul %convert_element_type3A_156, %floor3A_160, %dot_general3A_165 {dimension_numbers = #tpu.dot_dimension_numbers<[1], [1], [0], [0], [0, 0, 1, 0], [], []>, transpose_lhs_hint = false} : vector<8x8xf32>, vector<1x8xf32>, vector<8x1xf32> -> vector<8x1xf32>
    %mul3A_167 = arith.constant 1.600000e+01 : f32
    %mul3A_168 = vector.broadcast %mul3A_167 : f32 to vector<8x1xf32>
    %mul3A_169 = arith.mulf %mul3A_168, %dot_general3A_166 : vector<8x1xf32>
    %dot_general3A_170 = arith.constant dense<0.000000e+00> : vector<8x1xf32>
    %dot_general3A_171 = tpu.matmul %convert_element_type3A_156, %sub3A_164, %dot_general3A_170 {dimension_numbers = #tpu.dot_dimension_numbers<[1], [1], [0], [0], [0, 0, 1, 0], [], []>, transpose_lhs_hint = false} : vector<8x8xf32>, vector<1x8xf32>, vector<8x1xf32> -> vector<8x1xf32>
    %add3A_172 = arith.addf %mul3A_169, %dot_general3A_171 : vector<8x1xf32>
    %convert_element_type3A_173 = arith.fptosi %add3A_172 : vector<8x1xf32> to vector<8x1xi32>
    %broadcast_in_dim3A_174 = vector.shape_cast %convert_element_type3A_173 : vector<8x1xi32> to vector<8x1xi32>
    %broadcast_in_dim3A_175 = vector.broadcast %broadcast_in_dim3A_174 : vector<8x1xi32> to vector<8x128xi32>
    %swap3A_176 = arith.constant 0 : index
    %swap3A_177 = arith.constant 0 : index
    %swap3A_178 = vector.load %arg8[%swap3A_176, %swap3A_177] : memref<8x128xi32, #tpu.memory_space<vmem>>, vector<8x128xi32>
    tpu.vector_store %arg8[%swap3A_176, %swap3A_177], %broadcast_in_dim3A_175 {strides = array<i32>} : memref<8x128xi32, #tpu.memory_space<vmem>>, vector<8x128xi32>,
    %reduce_sum3A_179 = arith.constant dense<0.000000e+00> : vector<8xf32>
    %reduce_sum3A_180 = vector.multi_reduction <add>, %div3A_10, %reduce_sum3A_179 [0] : vector<2048x8xf32> to vector<8xf32>
    %broadcast_in_dim3A_181 = vector.shape_cast %reduce_sum3A_180 : vector<8xf32> to vector<1x8xf32>
    %div3A_182 = arith.constant 2.048000e+03 : f32
    %div3A_183 = vector.broadcast %div3A_182 : f32 to vector<1x8xf32>
    %div3A_184 = arith.divf %broadcast_in_dim3A_181, %div3A_183 : vector<1x8xf32>
    %div3A_185 = arith.constant 2.048000e+03 : f32
    %div3A_186 = vector.broadcast %div3A_185 : f32 to vector<1x8xf32>
    %div3A_187 = arith.divf %add3A_61, %div3A_186 : vector<1x8xf32>
    %mul3A_188 = arith.mulf %div3A_184, %div3A_187 : vector<1x8xf32>
    %reduce_sum3A_189 = vector.shape_cast %mul3A_188 : vector<1x8xf32> to vector<1x1x8xf32>
    %reduce_sum3A_190 = arith.constant dense<0.000000e+00> : vector<1xf32>
    %reduce_sum3A_191 = vector.multi_reduction <add>, %reduce_sum3A_189, %reduce_sum3A_190 [1, 2] : vector<1x1x8xf32> to vector<1xf32>
    %reduce_sum3A_192 = vector.shape_cast %reduce_sum3A_191 : vector<1xf32> to vector<1x1x1xf32>
    %reduce_sum3A_193 = vector.extract %reduce_sum3A_192[0, 0, 0] : f32 from vector<1x1x1xf32>
    %mul3A_194 = arith.constant 8.000000e+00 : f32
    %mul3A_195 = arith.mulf %mul3A_194, %reduce_sum3A_193 : f32
    %broadcast_in_dim3A_196 = vector.broadcast %mul3A_195 : f32 to vector<1x1xf32>
    %broadcast_in_dim3A_197 = vector.shape_cast %broadcast_in_dim3A_196 : vector<1x1xf32> to vector<1x1xf32>
    %broadcast_in_dim3A_198 = vector.broadcast %broadcast_in_dim3A_197 : vector<1x1xf32> to vector<8x128xf32>
    %swap3A_199 = arith.constant 0 : index
    %swap3A_200 = arith.constant 0 : index
    %swap3A_201 = vector.load %arg9[%swap3A_199, %swap3A_200] : memref<8x128xf32, #tpu.memory_space<vmem>>, vector<8x128xf32>
    tpu.vector_store %arg9[%swap3A_199, %swap3A_200], %broadcast_in_dim3A_198 {strides = array<i32>} : memref<8x128xf32, #tpu.memory_space<vmem>>, vector<8x128xf32>,
    return
  }
  func.func @transform_0(%arg0: i32) -> (i32, i32) {
    %c0_i32 = arith.constant 0 : i32
    %c0_i32_0 = arith.constant 0 : i32
    %c0_i32_1 = arith.constant 0 : i32
    return %c0_i32, %c0_i32_0 : i32, i32
  }
  func.func @transform_1(%arg0: i32) -> (i32, i32) {
    %c0_i32 = arith.constant 0 : i32
    %c0_i32_0 = arith.constant 0 : i32
    %c0_i32_1 = arith.constant 0 : i32
    return %c0_i32, %c0_i32_0 : i32, i32
  }
  func.func @transform_2(%arg0: i32) -> (i32, i32) {
    %c0_i32 = arith.constant 0 : i32
    %c0_i32_0 = arith.constant 0 : i32
    %c0_i32_1 = arith.constant 0 : i32
    return %c0_i32, %c0_i32_0 : i32, i32
  }
  func.func @transform_3(%arg0: i32) -> (i32, i32) {
    %c0_i32 = arith.constant 0 : i32
    %c0_i32_0 = arith.constant 0 : i32
    %c0_i32_1 = arith.constant 0 : i32
    return %c0_i32, %c0_i32_0 : i32, i32
  }
  func.func @transform_4(%arg0: i32) -> (i32, i32) {
    %c0_i32 = arith.constant 0 : i32
    %c0_i32_0 = arith.constant 0 : i32
    %c0_i32_1 = arith.constant 0 : i32
    return %c0_i32, %c0_i32_0 : i32, i32
  }
  func.func @transform_5(%arg0: i32) -> (i32, i32) {
    %c0_i32 = arith.constant 0 : i32
    %c0_i32_0 = arith.constant 0 : i32
    %c0_i32_1 = arith.constant 0 : i32
    return %c0_i32, %c0_i32_0 : i32, i32
  }
  func.func @transform_6(%arg0: i32) -> (i32, i32) {
    %c0_i32 = arith.constant 0 : i32
    %c0_i32_0 = arith.constant 0 : i32
    %c0_i32_1 = arith.constant 0 : i32
    return %c0_i32, %c0_i32_0 : i32, i32
  }
  func.func @transform_7(%arg0: i32) -> (i32, i32) {
    %c0_i32 = arith.constant 0 : i32
    %c0_i32_0 = arith.constant 0 : i32
    %c0_i32_1 = arith.constant 0 : i32
    return %c0_i32, %c0_i32_0 : i32, i32
  }
  func.func @transform_8(%arg0: i32) -> (i32, i32) {
    %c0_i32 = arith.constant 0 : i32
    %c0_i32_0 = arith.constant 0 : i32
    %c0_i32_1 = arith.constant 0 : i32
    return %c0_i32, %c0_i32_0 : i32, i32
  }
}

module attributes {stable_mosaic.version = 14 : i64} {
  func.func @_ffn_body(%arg0: i32, %arg1: i32, %arg2: memref<15xi32, #tpu.memory_space<smem>>, %arg3: memref<15xi32, #tpu.memory_space<smem>>, %arg4: memref<15xi32, #tpu.memory_space<smem>>, %arg5: memref<15xi32, #tpu.memory_space<smem>>, %arg6: memref<15xi32, #tpu.memory_space<smem>>, %arg7: memref<512x1024xf32, #tpu.memory_space<vmem>>, %arg8: memref<1x1024x1024xf32, #tpu.memory_space<vmem>>, %arg9: memref<1x1024x1024xf32, #tpu.memory_space<vmem>>, %arg10: memref<1x1024x1024xf32, #tpu.memory_space<vmem>>, %arg11: memref<512x1024xf32, #tpu.memory_space<vmem>>) attributes {dimension_semantics = [#tpu.dimension_semantics<arbitrary>, #tpu.dimension_semantics<arbitrary>], iteration_bounds = array<i64: 15, 3>, scalar_prefetch = 5 : i64, scratch_operands = 0 : i64, tpu.core_type = #tpu.core_type<tc>, window_params = [{transform_indices = @transform_0, window_bounds = array<i64: 512, 1024>}, {transform_indices = @transform_1, window_bounds = array<i64: 1, 1024, 1024>}, {transform_indices = @transform_2, window_bounds = array<i64: 1, 1024, 1024>}, {transform_indices = @transform_3, window_bounds = array<i64: 1, 1024, 1024>}, {transform_indices = @transform_4, window_bounds = array<i64: 512, 1024>}]} {
    %get3A = arith.constant 0 : index
    %get3A_0 = arith.constant 0 : index
    %get3A_1 = vector.load %arg7[%get3A, %get3A_0] : memref<512x1024xf32, #tpu.memory_space<vmem>>, vector<512x1024xf32>
    %convert_element_type3A = arith.truncf %get3A_1 : vector<512x1024xf32> to vector<512x1024xbf16>
    %get3A_2 = arith.constant 0 : index
    %get3A_3 = arith.constant 0 : index
    %get3A_4 = arith.constant 0 : index
    %get3A_5 = vector.load %arg8[%get3A_2, %get3A_3, %get3A_4] : memref<1x1024x1024xf32, #tpu.memory_space<vmem>>, vector<1x1024x1024xf32>
    %get3A_6 = vector.shape_cast %get3A_5 : vector<1x1024x1024xf32> to vector<1024x1024xf32>
    %convert_element_type3A_7 = arith.truncf %get3A_6 : vector<1024x1024xf32> to vector<1024x1024xbf16>
    %dot_general3A = arith.constant dense<0.000000e+00> : vector<512x1024xf32>
    %dot_general3A_8 = tpu.matmul %convert_element_type3A, %convert_element_type3A_7, %dot_general3A {dimension_numbers = #tpu.dot_dimension_numbers<[1], [0], [0], [1], [0, 0, 1, 1], [], []>, transpose_lhs_hint = false} : vector<512x1024xbf16>, vector<1024x1024xbf16>, vector<512x1024xf32> -> vector<512x1024xf32>
    %get3A_9 = arith.constant 0 : index
    %get3A_10 = arith.constant 0 : index
    %get3A_11 = arith.constant 0 : index
    %get3A_12 = vector.load %arg9[%get3A_9, %get3A_10, %get3A_11] : memref<1x1024x1024xf32, #tpu.memory_space<vmem>>, vector<1x1024x1024xf32>
    %get3A_13 = vector.shape_cast %get3A_12 : vector<1x1024x1024xf32> to vector<1024x1024xf32>
    %convert_element_type3A_14 = arith.truncf %get3A_13 : vector<1024x1024xf32> to vector<1024x1024xbf16>
    %dot_general3A_15 = arith.constant dense<0.000000e+00> : vector<512x1024xf32>
    %dot_general3A_16 = tpu.matmul %convert_element_type3A, %convert_element_type3A_14, %dot_general3A_15 {dimension_numbers = #tpu.dot_dimension_numbers<[1], [0], [0], [1], [0, 0, 1, 1], [], []>, transpose_lhs_hint = false} : vector<512x1024xbf16>, vector<1024x1024xbf16>, vector<512x1024xf32> -> vector<512x1024xf32>
    %neg3A = arith.constant 0.000000e+00 : f32
    %neg3A_17 = vector.broadcast %neg3A : f32 to vector<512x1024xf32>
    %neg3A_18 = arith.subf %neg3A_17, %dot_general3A_8 : vector<512x1024xf32>
    %exp3A = math.exp %neg3A_18 : vector<512x1024xf32>
    %add3A = arith.constant 1.000000e+00 : f32
    %add3A_19 = vector.broadcast %add3A : f32 to vector<512x1024xf32>
    %add3A_20 = arith.addf %add3A_19, %exp3A : vector<512x1024xf32>
    %div3A = arith.constant 1.000000e+00 : f32
    %div3A_21 = vector.broadcast %div3A : f32 to vector<512x1024xf32>
    %div3A_22 = arith.divf %div3A_21, %add3A_20 : vector<512x1024xf32>
    %mul3A = arith.mulf %dot_general3A_8, %div3A_22 : vector<512x1024xf32>
    %mul3A_23 = arith.mulf %mul3A, %dot_general3A_16 : vector<512x1024xf32>
    %get3A_24 = arith.index_cast %arg0 : i32 to index
    %get3A_25 = memref.load %arg2[%get3A_24] : memref<15xi32, #tpu.memory_space<smem>>
    %mul3A_26 = arith.constant 512 : i32
    %mul3A_27 = arith.muli %get3A_25, %mul3A_26 : i32
    %iota3A = tpu.iota {dimensions = array<i32: 0>} : vector<512x1xi32>
    %add3A_28 = vector.broadcast %mul3A_27 : i32 to vector<512x1xi32>
    %add3A_29 = arith.addi %add3A_28, %iota3A : vector<512x1xi32>
    %get3A_30 = arith.index_cast %arg0 : i32 to index
    %get3A_31 = memref.load %arg4[%get3A_30] : memref<15xi32, #tpu.memory_space<smem>>
    %ge3A = vector.broadcast %get3A_31 : i32 to vector<512x1xi32>
    %ge3A_32 = arith.cmpi sge, %add3A_29, %ge3A : vector<512x1xi32>
    %get3A_33 = arith.index_cast %arg0 : i32 to index
    %get3A_34 = memref.load %arg5[%get3A_33] : memref<15xi32, #tpu.memory_space<smem>>
    %lt3A = vector.broadcast %get3A_34 : i32 to vector<512x1xi32>
    %lt3A_35 = arith.cmpi slt, %add3A_29, %lt3A : vector<512x1xi32>
    %and3A = arith.andi %ge3A_32, %lt3A_35 : vector<512x1xi1>
    %jit3A = arith.constant 0.000000e+00 : f32
    %broadcast_in_dim3A = vector.shape_cast %and3A : vector<512x1xi1> to vector<512x1xi1>
    %broadcast_in_dim3A_36 = vector.broadcast %broadcast_in_dim3A : vector<512x1xi1> to vector<512x1024xi1>
    %broadcast_in_dim3A_37 = vector.broadcast %jit3A : f32 to vector<512x1024xf32>
    %select_n3A = arith.select %broadcast_in_dim3A_36, %mul3A_23, %broadcast_in_dim3A_37 : vector<512x1024xi1>, vector<512x1024xf32>
    %convert_element_type3A_38 = arith.truncf %select_n3A : vector<512x1024xf32> to vector<512x1024xbf16>
    %get3A_39 = arith.constant 0 : index
    %get3A_40 = arith.constant 0 : index
    %get3A_41 = arith.constant 0 : index
    %get3A_42 = vector.load %arg10[%get3A_39, %get3A_40, %get3A_41] : memref<1x1024x1024xf32, #tpu.memory_space<vmem>>, vector<1x1024x1024xf32>
    %get3A_43 = vector.shape_cast %get3A_42 : vector<1x1024x1024xf32> to vector<1024x1024xf32>
    %convert_element_type3A_44 = arith.truncf %get3A_43 : vector<1024x1024xf32> to vector<1024x1024xbf16>
    %dot_general3A_45 = arith.constant dense<0.000000e+00> : vector<512x1024xf32>
    %dot_general3A_46 = tpu.matmul %convert_element_type3A_38, %convert_element_type3A_44, %dot_general3A_45 {dimension_numbers = #tpu.dot_dimension_numbers<[1], [0], [0], [1], [0, 0, 1, 1], [], []>, transpose_lhs_hint = false} : vector<512x1024xbf16>, vector<1024x1024xbf16>, vector<512x1024xf32> -> vector<512x1024xf32>
    %get3A_47 = arith.index_cast %arg0 : i32 to index
    %get3A_48 = memref.load %arg6[%get3A_47] : memref<15xi32, #tpu.memory_space<smem>>
    %eq3A = arith.constant 1 : i32
    %eq3A_49 = arith.cmpi eq, %get3A_48, %eq3A : i32
    %eq3A_50 = arith.constant 0 : i32
    %eq3A_51 = arith.cmpi eq, %arg1, %eq3A_50 : i32
    %and3A_52 = arith.andi %eq3A_49, %eq3A_51 : i1
    %convert_element_type3A_53 = arith.extui %and3A_52 : i1 to i32
    %cond3A = arith.constant 0 : i32
    %cond3A_54 = arith.cmpi ne, %convert_element_type3A_53, %cond3A : i32
    scf.if %cond3A_54 {
      %swap3A = arith.constant 0 : index
      %swap3A_59 = arith.constant 0 : index
      %swap3A_60 = vector.load %arg11[%swap3A, %swap3A_59] : memref<512x1024xf32, #tpu.memory_space<vmem>>, vector<512x1024xf32>
      tpu.vector_store %arg11[%swap3A, %swap3A_59], %dot_general3A_46 {strides = array<i32>} : memref<512x1024xf32, #tpu.memory_space<vmem>>, vector<512x1024xf32>,
    } else {
    }
    %not3A = arith.constant true
    %not3A_55 = arith.xori %and3A_52, %not3A : i1
    %convert_element_type3A_56 = arith.extui %not3A_55 : i1 to i32
    %cond3A_57 = arith.constant 0 : i32
    %cond3A_58 = arith.cmpi ne, %convert_element_type3A_56, %cond3A_57 : i32
    scf.if %cond3A_58 {
      %get3A_59 = arith.constant 0 : index
      %get3A_60 = arith.constant 0 : index
      %get3A_61 = vector.load %arg11[%get3A_59, %get3A_60] : memref<512x1024xf32, #tpu.memory_space<vmem>>, vector<512x1024xf32>
      %add3A_62 = arith.addf %get3A_61, %dot_general3A_46 : vector<512x1024xf32>
      %swap3A = arith.constant 0 : index
      %swap3A_63 = arith.constant 0 : index
      %swap3A_64 = vector.load %arg11[%swap3A, %swap3A_63] : memref<512x1024xf32, #tpu.memory_space<vmem>>, vector<512x1024xf32>
      tpu.vector_store %arg11[%swap3A, %swap3A_63], %add3A_62 {strides = array<i32>} : memref<512x1024xf32, #tpu.memory_space<vmem>>, vector<512x1024xf32>,
    } else {
    }
    return
  }
  func.func @transform_0(%arg0: i32, %arg1: i32, %arg2: memref<15xi32, #tpu.memory_space<smem>>, %arg3: memref<15xi32, #tpu.memory_space<smem>>, %arg4: memref<15xi32, #tpu.memory_space<smem>>, %arg5: memref<15xi32, #tpu.memory_space<smem>>, %arg6: memref<15xi32, #tpu.memory_space<smem>>) -> (i32, i32) {
    %get3A = arith.index_cast %arg0 : i32 to index
    %get3A_0 = memref.load %arg2[%get3A] : memref<15xi32, #tpu.memory_space<smem>>
    %c0_i32 = arith.constant 0 : i32
    %c0_i32_1 = arith.constant 0 : i32
    return %get3A_0, %c0_i32 : i32, i32
  }
  func.func @transform_1(%arg0: i32, %arg1: i32, %arg2: memref<15xi32, #tpu.memory_space<smem>>, %arg3: memref<15xi32, #tpu.memory_space<smem>>, %arg4: memref<15xi32, #tpu.memory_space<smem>>, %arg5: memref<15xi32, #tpu.memory_space<smem>>, %arg6: memref<15xi32, #tpu.memory_space<smem>>) -> (i32, i32, i32) {
    %get3A = arith.index_cast %arg0 : i32 to index
    %get3A_0 = memref.load %arg3[%get3A] : memref<15xi32, #tpu.memory_space<smem>>
    %c0_i32 = arith.constant 0 : i32
    %c0_i32_1 = arith.constant 0 : i32
    return %get3A_0, %c0_i32, %arg1 : i32, i32, i32
  }
  func.func @transform_2(%arg0: i32, %arg1: i32, %arg2: memref<15xi32, #tpu.memory_space<smem>>, %arg3: memref<15xi32, #tpu.memory_space<smem>>, %arg4: memref<15xi32, #tpu.memory_space<smem>>, %arg5: memref<15xi32, #tpu.memory_space<smem>>, %arg6: memref<15xi32, #tpu.memory_space<smem>>) -> (i32, i32, i32) {
    %get3A = arith.index_cast %arg0 : i32 to index
    %get3A_0 = memref.load %arg3[%get3A] : memref<15xi32, #tpu.memory_space<smem>>
    %c0_i32 = arith.constant 0 : i32
    %c0_i32_1 = arith.constant 0 : i32
    return %get3A_0, %c0_i32, %arg1 : i32, i32, i32
  }
  func.func @transform_3(%arg0: i32, %arg1: i32, %arg2: memref<15xi32, #tpu.memory_space<smem>>, %arg3: memref<15xi32, #tpu.memory_space<smem>>, %arg4: memref<15xi32, #tpu.memory_space<smem>>, %arg5: memref<15xi32, #tpu.memory_space<smem>>, %arg6: memref<15xi32, #tpu.memory_space<smem>>) -> (i32, i32, i32) {
    %get3A = arith.index_cast %arg0 : i32 to index
    %get3A_0 = memref.load %arg3[%get3A] : memref<15xi32, #tpu.memory_space<smem>>
    %c0_i32 = arith.constant 0 : i32
    %c0_i32_1 = arith.constant 0 : i32
    return %get3A_0, %arg1, %c0_i32 : i32, i32, i32
  }
  func.func @transform_4(%arg0: i32, %arg1: i32, %arg2: memref<15xi32, #tpu.memory_space<smem>>, %arg3: memref<15xi32, #tpu.memory_space<smem>>, %arg4: memref<15xi32, #tpu.memory_space<smem>>, %arg5: memref<15xi32, #tpu.memory_space<smem>>, %arg6: memref<15xi32, #tpu.memory_space<smem>>) -> (i32, i32) {
    %get3A = arith.index_cast %arg0 : i32 to index
    %get3A_0 = memref.load %arg2[%get3A] : memref<15xi32, #tpu.memory_space<smem>>
    %c0_i32 = arith.constant 0 : i32
    %c0_i32_1 = arith.constant 0 : i32
    return %get3A_0, %c0_i32 : i32, i32
  }
}

module attributes {stable_mosaic.version = 14 : i64} {
  func.func @_combine_body(%arg0: i32, %arg1: memref<512x1024xf32, #tpu.memory_space<vmem>>, %arg2: memref<512x1024xf32, #tpu.memory_space<vmem>>, %arg3: memref<512x1024xf32, #tpu.memory_space<vmem>>, %arg4: memref<512x128xf32, #tpu.memory_space<vmem>>, %arg5: memref<512x128xf32, #tpu.memory_space<vmem>>, %arg6: memref<512x1024xf32, #tpu.memory_space<vmem>>) attributes {dimension_semantics = [#tpu.dimension_semantics<arbitrary>], iteration_bounds = array<i64: 4>, scalar_prefetch = 0 : i64, scratch_operands = 0 : i64, tpu.core_type = #tpu.core_type<tc>, window_params = [{transform_indices = @transform_0, window_bounds = array<i64: 512, 1024>}, {transform_indices = @transform_1, window_bounds = array<i64: 512, 1024>}, {transform_indices = @transform_2, window_bounds = array<i64: 512, 1024>}, {transform_indices = @transform_3, window_bounds = array<i64: 512, 128>}, {transform_indices = @transform_4, window_bounds = array<i64: 512, 128>}, {transform_indices = @transform_5, window_bounds = array<i64: 512, 1024>}]} {
    %get3A = arith.constant 0 : index
    %get3A_0 = arith.constant 0 : index
    %get3A_1 = vector.load %arg4[%get3A, %get3A_0] : memref<512x128xf32, #tpu.memory_space<vmem>>, vector<512x128xf32>
    %slice3A = vector.extract_strided_slice %get3A_1 {offsets = [0, 0], sizes = [512, 1], strides = [1, 1]} : vector<512x128xf32> to vector<512x1xf32>
    %get3A_2 = arith.constant 0 : index
    %get3A_3 = arith.constant 0 : index
    %get3A_4 = vector.load %arg5[%get3A_2, %get3A_3] : memref<512x128xf32, #tpu.memory_space<vmem>>, vector<512x128xf32>
    %slice3A_5 = vector.extract_strided_slice %get3A_4 {offsets = [0, 0], sizes = [512, 1], strides = [1, 1]} : vector<512x128xf32> to vector<512x1xf32>
    %get3A_6 = arith.constant 0 : index
    %get3A_7 = arith.constant 0 : index
    %get3A_8 = vector.load %arg1[%get3A_6, %get3A_7] : memref<512x1024xf32, #tpu.memory_space<vmem>>, vector<512x1024xf32>
    %get3A_9 = arith.constant 0 : index
    %get3A_10 = arith.constant 0 : index
    %get3A_11 = vector.load %arg2[%get3A_9, %get3A_10] : memref<512x1024xf32, #tpu.memory_space<vmem>>, vector<512x1024xf32>
    %mul3A = vector.broadcast %slice3A : vector<512x1xf32> to vector<512x1024xf32>
    %mul3A_12 = arith.mulf %mul3A, %get3A_11 : vector<512x1024xf32>
    %add3A = arith.addf %get3A_8, %mul3A_12 : vector<512x1024xf32>
    %get3A_13 = arith.constant 0 : index
    %get3A_14 = arith.constant 0 : index
    %get3A_15 = vector.load %arg3[%get3A_13, %get3A_14] : memref<512x1024xf32, #tpu.memory_space<vmem>>, vector<512x1024xf32>
    %mul3A_16 = vector.broadcast %slice3A_5 : vector<512x1xf32> to vector<512x1024xf32>
    %mul3A_17 = arith.mulf %mul3A_16, %get3A_15 : vector<512x1024xf32>
    %add3A_18 = arith.addf %add3A, %mul3A_17 : vector<512x1024xf32>
    %swap3A = arith.constant 0 : index
    %swap3A_19 = arith.constant 0 : index
    %swap3A_20 = vector.load %arg6[%swap3A, %swap3A_19] : memref<512x1024xf32, #tpu.memory_space<vmem>>, vector<512x1024xf32>
    tpu.vector_store %arg6[%swap3A, %swap3A_19], %add3A_18 {strides = array<i32>} : memref<512x1024xf32, #tpu.memory_space<vmem>>, vector<512x1024xf32>,
    return
  }
  func.func @transform_0(%arg0: i32) -> (i32, i32) {
    %c0_i32 = arith.constant 0 : i32
    %c0_i32_0 = arith.constant 0 : i32
    return %arg0, %c0_i32 : i32, i32
  }
  func.func @transform_1(%arg0: i32) -> (i32, i32) {
    %c0_i32 = arith.constant 0 : i32
    %c0_i32_0 = arith.constant 0 : i32
    return %arg0, %c0_i32 : i32, i32
  }
  func.func @transform_2(%arg0: i32) -> (i32, i32) {
    %c0_i32 = arith.constant 0 : i32
    %c0_i32_0 = arith.constant 0 : i32
    return %arg0, %c0_i32 : i32, i32
  }
  func.func @transform_3(%arg0: i32) -> (i32, i32) {
    %c0_i32 = arith.constant 0 : i32
    %c0_i32_0 = arith.constant 0 : i32
    return %arg0, %c0_i32 : i32, i32
  }
  func.func @transform_4(%arg0: i32) -> (i32, i32) {
    %c0_i32 = arith.constant 0 : i32
    %c0_i32_0 = arith.constant 0 : i32
    return %arg0, %c0_i32 : i32, i32
  }
  func.func @transform_5(%arg0: i32) -> (i32, i32) {
    %c0_i32 = arith.constant 0 : i32
    %c0_i32_0 = arith.constant 0 : i32
    return %arg0, %c0_i32 : i32, i32
  }
}

</mosaic_0001>

<sc_bundles>
// kernel: kernel.10.cloned.1.call-start
scs
__scs_entry_jumppad:
0x0: {  	(pc) =	sbr.rel $0x88, $3  }
0x1: {  	(tag) =	ssettag $0x0;
	lr =	simm.s32 $0x1  }
0x2: {  	[smem:$0x3F98] =	sst lr;
	_ =	strace $0xD0000000  }
0x3: {  	_ = 	snop  }
0x4: {  	_ = 	snop  }
0x5: {  	_ = 	snop  }
0x6: {  	_ = 	snop  }
0x7: {  	_ = 	snop  }
__scs_overlays_trampoline_lowered:
0x8: {  	[smem:$0x3FA7] =	sst s0  }
0x9: {  	[smem:$0x3FA8] =	sst s1  }
0xa: {  	[smem:$0x3FA9] =	sst s2  }
0xb: {  	[smem:$0x3FAA] =	sst s3  }
0xc: {  	[smem:$0x3FAB] =	sst s4  }
0xd: {  	[smem:$0x3FAC] =	sst s5  }
0xe: {  	[smem:$0x3FAD] =	sst s6  }
0xf: {  	[smem:$0x3FAE] =	sst s7  }
0x10: {  	[smem:$0x3FAF] =	sst s8  }
0x11: {  	[smem:$0x3FB0] =	sst s9;
	s0 =	simm.s32 @!p0 $0x0  }
0x12: {  	s1 =	sld [smem:$0x3F96];
	s0 =	simm.s32 @p0 $0x1  }
0x13: {  	[smem:$0x3FB1] =	sst s0;
	s0 =	simm.s32 @!p1 $0x0  }
0x14: {  	s2 =	sld [smem:$0x3F95];
	s0 =	simm.s32 @p1 $0x1  }
0x15: {  	[smem:$0x3FB2] =	sst s0;
	s0 =	simm.s32 @!p2 $0x0  }
0x16: {  	s3 =	sld [smem:$0x3FDB];
	s0 =	simm.s32 @p2 $0x1  }
0x17: {  	s4 =	simm.s32 $0x1BF5;
	[smem:$0x3FB4] =	sst s0  }
0x18: {  	s0 =	sld [smem:$0x3F97];
	_ =	swait.ge [sflag:s4], $0x0  }
0x19: {  	s7 =	sld [smem:$0x3F98]  }
0x1a: {  	s8 =	sadd.s32 $0xFFFFE003, lr  }
0x1b: {  	s9 =	sadd.s32 $0xFFFFFEF7, lr;
	s5 =	simm.s32 $0xFFFFFFFF;
	p2 =	slt.u32 s8, $0xFFFFF086  }
0x1c: {  	p1 =	slt.u32 s9, $0xF7A;
	s5 =	simm.s32 @!p2 $0x0  }
0x1d: {  	s5 =	simm.s32 @p1 $0x1;
	p0 =	seq.s32 s7, s2  }
0x1e: {  	s7 =	smul.u32 @!p0 $0xF7A, s2;
	p2 =	seq.s32 @!p0 s5, $0x0  }
0x1f: {  	s9 =	smul.u32 $0xF7A, s1;
	s8 =	simm.s32 @!p0 $0x1BF5;
	p2 =	por !p2, p0  }
0x20: {  	[sflag:s8] =	ssyncset.s32 @!p0 $0xFFFFF086;
	s6 =	sadd.s32 @!p0 s3, s7;
	s7 =	simm.s32 @!p0 $0x108  }
0x21: {  	s3 =	sadd.s32 s3, s9;
	s6 =	sadd.s32 @!p0 $0x88, s6;
	s7 =	simm.s32 @p2 $0x1082  }
0x22: {  	[simem:s7], [sflag:s8] =	dma.local @!p0 [hbm:s6], $0xF7A  }
0x23: {  	s9 =	sor.u32 $0xD0000000, s2;
	s6 =	simm.s32 $0x108;
	_ =	swait.ge @!p0 [sflag:s8], $0x0  }
0x24: {  	s3 =	sadd.s32 $0x88, s3;
	s6 =	simm.s32 @!p1 $0x1082;
	[sflag:s4] =	ssyncset.s32 $0xFFFFF086  }
0x25: {  	[simem:s6], [sflag:s4] =	dma.local [hbm:s3], $0xF7A  }
0x26: {  	[smem:$0x3F98] =	sst s1;
	(tag) =	ssettag s2;
	_ =	strace s9  }
0x27: {  	s1 =	sld [smem:$0x3FA8]  }
0x28: {  	s2 =	sld [smem:$0x3FA9]  }
0x29: {  	s4 =	sld [smem:$0x3FAB]  }
0x2a: {  	p0 =	seq.s32 s5, $0x0;
	s5 =	sld [smem:$0x3FAC]  }
0x2b: {  	s6 =	sld [smem:$0x3FAD]  }
0x2c: {  	s7 =	sld [smem:$0x3FAE]  }
0x2d: {  	s3 =	simm.s32 $0x108;
	s8 =	sld [smem:$0x3FAF]  }
0x2e: {  	s3 =	simm.s32 @!p0 $0x1082;
	s9 =	sld [smem:$0x3FB0]  }
0x2f: {  	lr =	sadd.s32 s0, s3;
	s0 =	sld [smem:$0x3FA7]  }
0x30: {  	s3 =	sld [smem:$0x3FAA]  }
0x31: {  	[smem:$0x3FB3] =	sst s10  }
0x32: {  	s10 =	sld [smem:$0x3FB1];
	_ =	sdelay $0x3  }
0x33: {  	p0 =	seq.s32 s10, $0x1;
	s10 =	sld [smem:$0x3FB3];
	_ =	sdelay $0x3  }
0x34: {  	[smem:$0x3FB3] =	sst s10  }
0x35: {  	s10 =	sld [smem:$0x3FB2];
	_ =	sdelay $0x3  }
0x36: {  	p1 =	seq.s32 s10, $0x1;
	s10 =	sld [smem:$0x3FB3];
	_ =	sdelay $0x3  }
0x37: {  	[smem:$0x3FB3] =	sst s10  }
0x38: {  	s10 =	sld [smem:$0x3FB4]  }
0x39: {  	_ = 	snop;
	(pc) =	sbr.ind lr, $3  }
0x3a: {  	_ = 	snop  }
0x3b: {  	_ = 	snop  }
0x3c: {  	p2 =	seq.s32 s10, $0x1;
	s10 =	sld [smem:$0x3FB3]  }
0x3d: {  	_ =	shalt  }
0x3e: {  	_ =	shalt  }
0x3f: {  	_ =	shalt  }
0x40: {  	_ =	shalt  }
0x41: {  	_ =	shalt  }
0x42: {  	_ =	shalt  }
0x43: {  	_ =	shalt  }
0x44: {  	_ =	shalt  }
0x45: {  	_ =	shalt  }
0x46: {  	_ =	shalt  }
0x47: {  	_ =	shalt  }
0x48: {  	_ =	shalt  }
0x49: {  	_ =	shalt  }
0x4a: {  	_ =	shalt  }
0x4b: {  	_ =	shalt  }
0x4c: {  	_ =	shalt  }
0x4d: {  	_ =	shalt  }
0x4e: {  	_ =	shalt  }
0x4f: {  	_ =	shalt  }
0x50: {  	_ =	shalt  }
0x51: {  	_ =	shalt  }
0x52: {  	_ =	shalt  }
0x53: {  	_ =	shalt  }
0x54: {  	_ =	shalt  }
0x55: {  	_ =	shalt  }
0x56: {  	_ =	shalt  }
0x57: {  	_ =	shalt  }
0x58: {  	_ =	shalt  }
0x59: {  	_ =	shalt  }
0x5a: {  	_ =	shalt  }
0x5b: {  	_ =	shalt  }
0x5c: {  	_ =	shalt  }
0x5d: {  	_ =	shalt  }
0x5e: {  	_ =	shalt  }
0x5f: {  	_ =	shalt  }
0x60: {  	_ =	shalt  }
0x61: {  	_ =	shalt  }
0x62: {  	_ =	shalt  }
0x63: {  	_ =	shalt  }
0x64: {  	_ =	shalt  }
0x65: {  	_ =	shalt  }
0x66: {  	_ =	shalt  }
0x67: {  	_ =	shalt  }
0x68: {  	_ =	shalt  }
0x69: {  	_ =	shalt  }
0x6a: {  	_ =	shalt  }
0x6b: {  	_ =	shalt  }
0x6c: {  	_ =	shalt  }
0x6d: {  	_ =	shalt  }
0x6e: {  	_ =	shalt  }
0x6f: {  	_ =	shalt  }
0x70: {  	_ =	shalt  }
0x71: {  	_ =	shalt  }
0x72: {  	_ =	shalt  }
0x73: {  	_ =	shalt  }
0x74: {  	_ =	shalt  }
0x75: {  	_ =	shalt  }
0x76: {  	_ =	shalt  }
0x77: {  	_ =	shalt  }
0x78: {  	_ =	shalt  }
0x79: {  	_ =	shalt  }
0x7a: {  	_ =	shalt  }
0x7b: {  	_ =	shalt  }
0x7c: {  	_ =	shalt  }
0x7d: {  	_ =	shalt  }
0x7e: {  	_ =	shalt  }
0x7f: {  	_ =	shalt  }
0x80: {  	_ =	shalt  }
0x81: {  	_ =	shalt  }
0x82: {  	_ =	shalt  }
0x83: {  	_ =	shalt  }
0x84: {  	_ =	shalt  }
0x85: {  	_ =	shalt  }
0x86: {  	_ =	shalt  }
0x87: {  	_ =	shalt  }
.Lfunc_end0:
.L_simem_size_0:
called_computation_lowered:
.L_overlay_start_0:
0x88: {  	s2 =	sld [smem:$0x3FD9]  }
0x89: {  	s3 =	sld [smem:$0x3FFE];
	_ =	sdelay $0x1  }
0x8a: {  	s1 =	srdreg.scid  }
0x8b: {  	s0 =	sand.u32 $0x1, s1  }
0x8c: {  	s14 =	sshll.u32 s0, $0xA;
	s2 =	sadd.s32 s3, s2  }
0x8d: {  	s2 =	sadd.s32 s2, s14  }
0x8e: {  	[smem:$0x3FBF] =	sst s2  }
0x8f: {  	_ = 	snop  }
0x90: {  	s2 =	sld [smem:$0x3FD0];
	_ =	sdelay $0x2  }
0x91: {  	s15 =	simm.s32 $0xA;
	s4 =	simm.s32 $0x10  }
0x92: {  	[smem:s4], [sflag:s15] =	dma.local [hbm:s2], $0x1  }
0x93: {  	_ =	swait.eq [sflag:s15], $0x1  }
0x94: {  	[sflag:s15] =	ssyncset.done $0x0  }
0x95: {  	[sflag:s15] =	ssyncadd.s32 $0xFFFFFFFF  }
0x96: {  	s16 =	sld [smem:$0x10];
	(tm) =	ssettm $0x1  }
0x97: {  	s17 =	sld [smem:$0x3FFB];
	_ =	sdelay $0x3  }
0x98: {  	_ =	strace s17  }
0x99: {  	s3 =	sld [smem:$0x3FFC];
	_ =	sdelay $0x3  }
0x9a: {  	_ =	strace s3  }
0x9b: {  	s3 =	sld [smem:$0x3FFD];
	_ =	sdelay $0x3  }
0x9c: {  	_ =	strace s3  }
0x9d: {  	_ =	strace $0x8FFFFFFF  }
0x9e: {  	s18 =	sld [smem:$0x3FDB];
	_ =	sdelay $0x1  }
0x9f: {  	s19 =	simm.s32 $_scs_section_size  }
0xa0: {  	s5 =	simm.s32 $_size__tile_overlayer_lowered;
	s6 =	simm.s32 $_tile_overlayer_lowered  }
0xa1: {  	s22 =	simm.s32 $0x1BFF;
	s21 =	sshll.u32 s6, $0x1;
	s3 =	sadd.s32 s19, s18  }
0xa2: {  	s7 =	simm.s32 $0x0;
	s20 =	sshll.u32 s5, $0x1;
	s5 =	sadd.s32 s21, s3  }
0xa3: {  	[timem:s7], [sflag:s22] =	dma.local [hbm:s5], s20  }
0xa4: {  	_ =	swait.ge [sflag:s22], s20  }
0xa5: {  	s4 =	ssub.s32 $0x0, s20;
	[sflag:s22] =	ssyncset.done $0x0  }
0xa6: {  	[sflag:s22] =	ssyncadd.s32 s4;
	_ =	sdelay $0x1  }
0xa7: {  	s23 =	simm.s32 $0x1B8B  }
0xa8: {  	_ =	swait.ge [sflag:s23], $0x1  }
0xa9: {  	[sflag:s23] =	ssyncset.done $0x0  }
0xaa: {  	s25 =	simm.s32 $0x1B8E;
	s24 =	sld [smem:$0x3FFE];
	[sflag:s23] =	ssyncadd.s32 $0xFFFFFFFF  }
0xab: {  	s26 =	simm.s32 $execute0_lowered;
	[smem:$0x3FD2] =	sst s25  }
0xac: {  	s5 =	sshll.u32 s26, $0x1;
	_ =	strace $0x80000046;
	[dreg:$0x1] =	wrdreg $0xFFFFFFFF  }
0xad: {  	s28 =	simm.s32 $_size_execute0_lowered;
	s3 =	sadd.s32 s3, s5;
	[dreg:$0x0] =	wrdreg $0x0  }
0xae: {  	s5 =	sshll.u32 s28, $0x1;
	[dreg:$0x2] =	wrdreg s3  }
0xaf: {  	[dreg:$0x3] =	wrdreg s5  }
0xb0: {  	[dreg:$0x4] =	wrdreg $0xC0  }
0xb1: {  	_ =	task [dreg:s7], $0x5FFFF  }
0xb2: {  	[dreg:$0x1] =	wrdreg $0xFFFFFFFF  }
0xb3: {  	[dreg:$0x0] =	wrdreg $0x60  }
0xb4: {  	[dreg:$0x2] =	wrdreg s16  }
0xb5: {  	[dreg:$0x3] =	wrdreg s24  }
0xb6: {  	[dreg:$0x4] =	wrdreg $0x9  }
0xb7: {  	_ =	task.clear_ibuf [dreg:s7], $0x5FFFF;
	_ =	strace $0x90000046  }
0xb8: {  	s29 =	simm.s32 $0x9;
	_ =	strace $0x80000048  }
0xb9: {  	_ =	swait.ge [sflag:s29], $0x1  }
0xba: {  	[sflag:s29] =	ssyncadd.s32 $0xFFFFFFFF  }
0xbb: {  	_ =	strace $0x90000048  }
0xbc: {  	_ =	sfence  }
0xbd: {  	s30 =	sld [smem:$0x0];
	_ =	sdelay $0x2  }
0xbe: {  	s31 =	sshll.u32 s1, $0xD;
	s1 =	sshrl.u32 s1, $0x2  }
0xbf: {  	s3 =	sand.u32 $0x4000, s31;
	s1 =	sadd.s32 s1, s30  }
0xc0: {  	s0 =	sor.u32 s3, s0;
	s1 =	sshll.u32 s1, $0x11  }
0xc1: {  	s0 =	sor.u32 s1, s0  }
0xc2: {  	s0 =	sadd.s32 $0x8F2B, s0  }
0xc3: {  	[sflag:s0] =	ssyncadd.remote.s32 $0x1  }
0xc4: {  	_ =	sfence.sel $0xFFFF  }
0xc5: {  	[dreg:$0x0] =	wrdreg $0xFFFFFFFF;
	(pc) =	sbr.abs _section_cstart, $3  }
0xc6: {  	[dreg:$0x1] =	wrdreg $0xFFFFFFFF  }
0xc7: {  	_ =	task.clear_ibuf [dreg:s7], $0x2FFFF;
	_ =	strace $0x9FFFFFFF  }
0xc8: {  	(tm) =	ssettm $0x7FFFFFFF  }
0xc9: {  	_ =	shalt  }
tec
execute0_lowered:
.L_overlay_start_1:
0x0: {  	(tag) =	ssettag $0x1  }
0x1: {  	s0 =	rddreg [dreg:$0x0]  }
0x2: {  	s1 =	rddreg [dreg:$0x1];
	s3 =	srdreg.scid;
	s2 =	simm.s32 $0x0  }
0x3: {  	s6 =	stileid.u32;
	s17 =	simm.s32 $0x1;
	s19 =	simm.s32 $0x10000  }
0x4: {  	s20 =	simm.s32 $0x800;
	s21 =	simm.s32 $0x1000;
	s28 =	simm.s32 $0x4000  }
0x5: {  	s29 =	simm.s32 $0x4800;
	s30 =	simm.s32 $0x5000;
	s31 =	simm.s32 $0x5800  }
0x6: {  	s9 =	simm.s32 $0x7000;
	s10 =	simm.s32 $0x7800;
	s11 =	simm.s32 $0x8000  }
0x7: {  	s12 =	simm.s32 $0x8800;
	s13 =	simm.s32 $0x9000;
	s14 =	simm.s32 $0x9800  }
0x8: {  	s15 =	simm.s32 $0xA000;
	s16 =	simm.s32 $0xA800;
	s4 =	sand.u32 $0x1, s3  }
0x9: {  	[smem:$0x7FF] =	sst s2;
	s5 =	sshll.u32 s6, $0x7;
	s22 =	sshll.u32 s6, $0xE  }
0xa: {  	s6 =	sadd.s32 $0x2F00, s1;
	s3 =	sshll.u32 s4, $0x3;
	s23 =	sshll.u32 s4, $0xD  }
0xb: {  	_ =	strace $0x80000047;
	s4 =	ssub.s32 $0x2, s4;
	s3 =	sor.u32 s3, s5  }
0xc: {  	s5 =	sor.u32 s23, s22;
	s24 =	sshrl.u32 s4, $0x1;
	s22 =	simm.s32 $0x1800  }
0xd: {  	s23 =	simm.s32 $0x2000;
	s7 =	sadd.s32 s3, s1;
	s3 =	sadd.s32 $0x2C00, s1  }
0xe: {  	s0 =	sadd.s32 s0, s5;
	s8 =	ssub.s32 s4, s24;
	s4 =	sadd.s32 $0x2D00, s1  }
0xf: {  	s5 =	sadd.s32 $0x2E00, s1;
	s24 =	simm.s32 $0x2800;
	s1 =	simm.s32 $0x6800  }
0x10: {  	v2 =	vlaneseq.u32;
	[dreg:$0x3] =	wrdreg s0;
	s25 =	sadd.s32 $0x1C00, s7;
	s26 =	sadd.s32 $0x2400, s7  }
0x11: {  	vm0 =	vmmov $0xffff;
	v1 =	vshrl.u32 v2, $0x3;
	s7 =	smax.u32 s8, $0x1;
	s8 =	simm.s32 $0x2;
	[dreg:$0x4] =	wrdreg s25  }
0x12: {  	v0 =	vand.u32 $0x7, v2;
	v2 =	vor.u32 $0x8, v2;
	v1 =	vmul.u32 $0x8, v1;
	[dreg:$0x5] =	wrdreg s26;
	s25 =	simm.s32 $0x3000;
	s26 =	simm.s32 $0x3800  }
.LBB2_1:
0x13: {  	s18 =	rddreg [dreg:$0x3]  }
0x14: {  	[tilespmem:s2], [sflag:$0x2] =	stream.linear.gather [hbm4b:s18+s2], $0x10000, $0x38;
	[tilespmem:$0x10080] =	vst v63  }
0x15: {  	_ =	swait.ge [sflag:s8], $0x10000  }
0x16: {  	[sflag:s8] =	ssyncset.done $0x0  }
0x17: {  	s0 =	rddreg [dreg:$0x4];
	[sflag:s8] =	ssyncadd.s32 $0xFFFF0000  }
0x18: {  	[tilespmem:s19], [sflag:$0x2] =	stream.linear.gather [hbm4b:s0+s2], $0x40, $0x38;
	[tilespmem:$0x10080] =	vst v63  }
0x19: {  	_ =	swait.ge [sflag:s8], $0x40  }
0x1a: {  	[sflag:s8] =	ssyncset.done $0x0  }
0x1b: {  	[sflag:s8] =	ssyncadd.s32 $0xFFFFFFC0  }
0x1c: {  	v3 =	vld [tilespmem:$0x10000];
	_ =	sdelay $0x4  }
0x1d: {  	v4 =	vshll.u32 v3, $0x3  }
0x1e: {  	v3 =	vand.u32 $0x7, v3;
	v4 =	vand.u32 $0xFFFFFFC0, v4  }
0x1f: {  	v3 =	vor.u32 v3, v4  }
0x20: {  	v4 =	vperm.xlane v3, v0;
	_ =	sdelay $0x1  }
0x21: {  	v4 =	vadd.s32 v1, v4;
	_ =	sdelay $0x4  }
0x22: {  	[hbm4b:s3+s2] =	stream.indirect_vreg.scatter [tilespmem:s2], [sflag:$0x1], $0x80, v4, vm0, $0xb8;
	[tilespmem:$0x10080] =	vst v63  }
0x23: {  	v3 =	vperm.xlane v3, v2  }
0x24: {  	[hbm4b:s4+s2] =	stream.indirect_vreg.scatter [tilespmem:s20], [sflag:$0x1], $0x80, v4, vm0, $0xb8;
	[tilespmem:$0x10080] =	vst v63  }
0x25: {  	v3 =	vadd.s32 v1, v3  }
0x26: {  	[hbm4b:s5+s2] =	stream.indirect_vreg.scatter [tilespmem:s21], [sflag:$0x1], $0x80, v4, vm0, $0xb8;
	[tilespmem:$0x10080] =	vst v63  }
0x27: {  	_ = 	snop  }
0x28: {  	[hbm4b:s6+s2] =	stream.indirect_vreg.scatter [tilespmem:s22], [sflag:$0x1], $0x80, v4, vm0, $0xb8;
	[tilespmem:$0x10080] =	vst v63  }
0x29: {  	_ = 	snop  }
0x2a: {  	[hbm4b:s3+s2] =	stream.indirect_vreg.scatter [tilespmem:s23], [sflag:$0x1], $0x80, v3, vm0, $0xb8;
	[tilespmem:$0x10080] =	vst v63  }
0x2b: {  	_ = 	snop  }
0x2c: {  	[hbm4b:s4+s2] =	stream.indirect_vreg.scatter [tilespmem:s24], [sflag:$0x1], $0x80, v3, vm0, $0xb8;
	[tilespmem:$0x10080] =	vst v63  }
0x2d: {  	_ = 	snop  }
0x2e: {  	[hbm4b:s5+s2] =	stream.indirect_vreg.scatter [tilespmem:s25], [sflag:$0x1], $0x80, v3, vm0, $0xb8;
	[tilespmem:$0x10080] =	vst v63  }
0x2f: {  	_ = 	snop  }
0x30: {  	[hbm4b:s6+s2] =	stream.indirect_vreg.scatter [tilespmem:s26], [sflag:$0x1], $0x80, v3, vm0, $0xb8;
	[tilespmem:$0x10080] =	vst v63  }
0x31: {  	v3 =	vld [tilespmem:$0x10010];
	_ =	sdelay $0x4  }
0x32: {  	v57 =	vshll.u32 v3, $0x3  }
0x33: {  	v3 =	vand.u32 $0x7, v3;
	v4 =	vand.u32 $0xFFFFFFC0, v57  }
0x34: {  	v3 =	vor.u32 v3, v4  }
0x35: {  	v4 =	vperm.xlane v3, v0;
	_ =	sdelay $0x1  }
0x36: {  	v4 =	vadd.s32 v1, v4;
	_ =	sdelay $0x4  }
0x37: {  	[hbm4b:s3+s2] =	stream.indirect_vreg.scatter [tilespmem:s28], [sflag:$0x1], $0x80, v4, vm0, $0xb8;
	[tilespmem:$0x10080] =	vst v63  }
0x38: {  	v3 =	vperm.xlane v3, v2  }
0x39: {  	[hbm4b:s4+s2] =	stream.indirect_vreg.scatter [tilespmem:s29], [sflag:$0x1], $0x80, v4, vm0, $0xb8;
	[tilespmem:$0x10080] =	vst v63  }
0x3a: {  	v3 =	vadd.s32 v1, v3  }
0x3b: {  	[hbm4b:s5+s2] =	stream.indirect_vreg.scatter [tilespmem:s30], [sflag:$0x1], $0x80, v4, vm0, $0xb8;
	[tilespmem:$0x10080] =	vst v63  }
0x3c: {  	_ = 	snop  }
0x3d: {  	[hbm4b:s6+s2] =	stream.indirect_vreg.scatter [tilespmem:s31], [sflag:$0x1], $0x80, v4, vm0, $0xb8;
	[tilespmem:$0x10080] =	vst v63  }
0x3e: {  	s0 =	simm.s32 $0x6000  }
0x3f: {  	[hbm4b:s3+s2] =	stream.indirect_vreg.scatter [tilespmem:s0], [sflag:$0x1], $0x80, v3, vm0, $0xb8;
	[tilespmem:$0x10080] =	vst v63  }
0x40: {  	_ = 	snop  }
0x41: {  	[hbm4b:s4+s2] =	stream.indirect_vreg.scatter [tilespmem:s1], [sflag:$0x1], $0x80, v3, vm0, $0xb8;
	[tilespmem:$0x10080] =	vst v63  }
0x42: {  	_ = 	snop  }
0x43: {  	[hbm4b:s5+s2] =	stream.indirect_vreg.scatter [tilespmem:s9], [sflag:$0x1], $0x80, v3, vm0, $0xb8;
	[tilespmem:$0x10080] =	vst v63  }
0x44: {  	_ = 	snop  }
0x45: {  	[hbm4b:s6+s2] =	stream.indirect_vreg.scatter [tilespmem:s10], [sflag:$0x1], $0x80, v3, vm0, $0xb8;
	[tilespmem:$0x10080] =	vst v63  }
0x46: {  	v3 =	vld [tilespmem:$0x10020];
	_ =	sdelay $0x4  }
0x47: {  	v58 =	vshll.u32 v3, $0x3  }
0x48: {  	v3 =	vand.u32 $0x7, v3;
	v4 =	vand.u32 $0xFFFFFFC0, v58  }
0x49: {  	v3 =	vor.u32 v3, v4  }
0x4a: {  	v4 =	vperm.xlane v3, v0;
	_ =	sdelay $0x1  }
0x4b: {  	v4 =	vadd.s32 v1, v4;
	_ =	sdelay $0x4  }
0x4c: {  	[hbm4b:s3+s2] =	stream.indirect_vreg.scatter [tilespmem:s11], [sflag:$0x1], $0x80, v4, vm0, $0xb8;
	[tilespmem:$0x10080] =	vst v63  }
0x4d: {  	v3 =	vperm.xlane v3, v2  }
0x4e: {  	[hbm4b:s4+s2] =	stream.indirect_vreg.scatter [tilespmem:s12], [sflag:$0x1], $0x80, v4, vm0, $0xb8;
	[tilespmem:$0x10080] =	vst v63  }
0x4f: {  	v3 =	vadd.s32 v1, v3  }
0x50: {  	[hbm4b:s5+s2] =	stream.indirect_vreg.scatter [tilespmem:s13], [sflag:$0x1], $0x80, v4, vm0, $0xb8;
	[tilespmem:$0x10080] =	vst v63  }
0x51: {  	_ = 	snop  }
0x52: {  	[hbm4b:s6+s2] =	stream.indirect_vreg.scatter [tilespmem:s14], [sflag:$0x1], $0x80, v4, vm0, $0xb8;
	[tilespmem:$0x10080] =	vst v63  }
0x53: {  	_ = 	snop  }
0x54: {  	[hbm4b:s3+s2] =	stream.indirect_vreg.scatter [tilespmem:s15], [sflag:$0x1], $0x80, v3, vm0, $0xb8;
	[tilespmem:$0x10080] =	vst v63  }
0x55: {  	_ = 	snop  }
0x56: {  	[hbm4b:s4+s2] =	stream.indirect_vreg.scatter [tilespmem:s16], [sflag:$0x1], $0x80, v3, vm0, $0xb8;
	[tilespmem:$0x10080] =	vst v63  }
0x57: {  	s18 =	simm.s32 $0xB000  }
0x58: {  	[hbm4b:s5+s2] =	stream.indirect_vreg.scatter [tilespmem:s18], [sflag:$0x1], $0x80, v3, vm0, $0xb8;
	[tilespmem:$0x10080] =	vst v63  }
0x59: {  	s18 =	simm.s32 $0xB800  }
0x5a: {  	[hbm4b:s6+s2] =	stream.indirect_vreg.scatter [tilespmem:s18], [sflag:$0x1], $0x80, v3, vm0, $0xb8;
	[tilespmem:$0x10080] =	vst v63  }
0x5b: {  	v3 =	vld [tilespmem:$0x10030];
	_ =	sdelay $0x4  }
0x5c: {  	v59 =	vshll.u32 v3, $0x3  }
0x5d: {  	v3 =	vand.u32 $0x7, v3;
	v4 =	vand.u32 $0xFFFFFFC0, v59  }
0x5e: {  	v3 =	vor.u32 v3, v4  }
0x5f: {  	v4 =	vperm.xlane v3, v0;
	_ =	sdelay $0x1  }
0x60: {  	v4 =	vadd.s32 v1, v4;
	_ =	sdelay $0x3  }
0x61: {  	s18 =	simm.s32 $0xC000  }
0x62: {  	[hbm4b:s3+s2] =	stream.indirect_vreg.scatter [tilespmem:s18], [sflag:$0x1], $0x80, v4, vm0, $0xb8;
	[tilespmem:$0x10080] =	vst v63  }
0x63: {  	v3 =	vperm.xlane v3, v2;
	s18 =	simm.s32 $0xC800  }
0x64: {  	[hbm4b:s4+s2] =	stream.indirect_vreg.scatter [tilespmem:s18], [sflag:$0x1], $0x80, v4, vm0, $0xb8;
	[tilespmem:$0x10080] =	vst v63  }
0x65: {  	v3 =	vadd.s32 v1, v3;
	s18 =	simm.s32 $0xD000  }
0x66: {  	[hbm4b:s5+s2] =	stream.indirect_vreg.scatter [tilespmem:s18], [sflag:$0x1], $0x80, v4, vm0, $0xb8;
	[tilespmem:$0x10080] =	vst v63  }
0x67: {  	s18 =	simm.s32 $0xD800  }
0x68: {  	[hbm4b:s6+s2] =	stream.indirect_vreg.scatter [tilespmem:s18], [sflag:$0x1], $0x80, v4, vm0, $0xb8;
	[tilespmem:$0x10080] =	vst v63  }
0x69: {  	s18 =	simm.s32 $0xE000  }
0x6a: {  	[hbm4b:s3+s2] =	stream.indirect_vreg.scatter [tilespmem:s18], [sflag:$0x1], $0x80, v3, vm0, $0xb8;
	[tilespmem:$0x10080] =	vst v63  }
0x6b: {  	s18 =	simm.s32 $0xE800  }
0x6c: {  	[hbm4b:s4+s2] =	stream.indirect_vreg.scatter [tilespmem:s18], [sflag:$0x1], $0x80, v3, vm0, $0xb8;
	[tilespmem:$0x10080] =	vst v63  }
0x6d: {  	s18 =	simm.s32 $0xF000  }
0x6e: {  	[hbm4b:s5+s2] =	stream.indirect_vreg.scatter [tilespmem:s18], [sflag:$0x1], $0x80, v3, vm0, $0xb8;
	[tilespmem:$0x10080] =	vst v63  }
0x6f: {  	s18 =	simm.s32 $0xF800  }
0x70: {  	[hbm4b:s6+s2] =	stream.indirect_vreg.scatter [tilespmem:s18], [sflag:$0x1], $0x80, v3, vm0, $0xb8;
	[tilespmem:$0x10080] =	vst v63  }
0x71: {  	_ =	swait.ge [sflag:s17], $0x10000  }
0x72: {  	[sflag:s17] =	ssyncset.done $0x0  }
0x73: {  	s18 =	rddreg [dreg:$0x5];
	[sflag:s17] =	ssyncadd.s32 $0xFFFF0000  }
0x74: {  	[tilespmem:s19], [sflag:$0x2] =	stream.linear.gather [hbm4b:s18+s2], $0x40, $0x38;
	[tilespmem:$0x10080] =	vst v63  }
0x75: {  	_ =	swait.ge [sflag:s8], $0x40  }
0x76: {  	[sflag:s8] =	ssyncset.done $0x0  }
0x77: {  	[sflag:s8] =	ssyncadd.s32 $0xFFFFFFC0  }
0x78: {  	v3 =	vld [tilespmem:$0x10000];
	_ =	sdelay $0x4  }
0x79: {  	v60 =	vshll.u32 v3, $0x3  }
0x7a: {  	v3 =	vand.u32 $0x7, v3;
	v4 =	vand.u32 $0xFFFFFFC0, v60  }
0x7b: {  	v3 =	vor.u32 v3, v4  }
0x7c: {  	v4 =	vperm.xlane v3, v0;
	_ =	sdelay $0x1  }
0x7d: {  	v4 =	vadd.s32 v1, v4;
	_ =	sdelay $0x4  }
0x7e: {  	[hbm4b:s3+s2] =	stream.indirect_vreg.scatter [tilespmem:s2], [sflag:$0x1], $0x80, v4, vm0, $0xb8;
	[tilespmem:$0x10080] =	vst v63  }
0x7f: {  	v3 =	vperm.xlane v3, v2  }
0x80: {  	[hbm4b:s4+s2] =	stream.indirect_vreg.scatter [tilespmem:s20], [sflag:$0x1], $0x80, v4, vm0, $0xb8;
	[tilespmem:$0x10080] =	vst v63  }
0x81: {  	v3 =	vadd.s32 v1, v3  }
0x82: {  	[hbm4b:s5+s2] =	stream.indirect_vreg.scatter [tilespmem:s21], [sflag:$0x1], $0x80, v4, vm0, $0xb8;
	[tilespmem:$0x10080] =	vst v63  }
0x83: {  	_ = 	snop  }
0x84: {  	[hbm4b:s6+s2] =	stream.indirect_vreg.scatter [tilespmem:s22], [sflag:$0x1], $0x80, v4, vm0, $0xb8;
	[tilespmem:$0x10080] =	vst v63  }
0x85: {  	_ = 	snop  }
0x86: {  	[hbm4b:s3+s2] =	stream.indirect_vreg.scatter [tilespmem:s23], [sflag:$0x1], $0x80, v3, vm0, $0xb8;
	[tilespmem:$0x10080] =	vst v63  }
0x87: {  	_ = 	snop  }
0x88: {  	[hbm4b:s4+s2] =	stream.indirect_vreg.scatter [tilespmem:s24], [sflag:$0x1], $0x80, v3, vm0, $0xb8;
	[tilespmem:$0x10080] =	vst v63  }
0x89: {  	_ = 	snop  }
0x8a: {  	[hbm4b:s5+s2] =	stream.indirect_vreg.scatter [tilespmem:s25], [sflag:$0x1], $0x80, v3, vm0, $0xb8;
	[tilespmem:$0x10080] =	vst v63  }
0x8b: {  	_ = 	snop  }
0x8c: {  	[hbm4b:s6+s2] =	stream.indirect_vreg.scatter [tilespmem:s26], [sflag:$0x1], $0x80, v3, vm0, $0xb8;
	[tilespmem:$0x10080] =	vst v63  }
0x8d: {  	v3 =	vld [tilespmem:$0x10010];
	_ =	sdelay $0x4  }
0x8e: {  	v61 =	vshll.u32 v3, $0x3  }
0x8f: {  	v3 =	vand.u32 $0x7, v3;
	v4 =	vand.u32 $0xFFFFFFC0, v61  }
0x90: {  	v3 =	vor.u32 v3, v4  }
0x91: {  	v4 =	vperm.xlane v3, v0;
	_ =	sdelay $0x1  }
0x92: {  	v4 =	vadd.s32 v1, v4;
	_ =	sdelay $0x4  }
0x93: {  	[hbm4b:s3+s2] =	stream.indirect_vreg.scatter [tilespmem:s28], [sflag:$0x1], $0x80, v4, vm0, $0xb8;
	[tilespmem:$0x10080] =	vst v63  }
0x94: {  	v3 =	vperm.xlane v3, v2  }
0x95: {  	[hbm4b:s4+s2] =	stream.indirect_vreg.scatter [tilespmem:s29], [sflag:$0x1], $0x80, v4, vm0, $0xb8;
	[tilespmem:$0x10080] =	vst v63  }
0x96: {  	v3 =	vadd.s32 v1, v3  }
0x97: {  	[hbm4b:s5+s2] =	stream.indirect_vreg.scatter [tilespmem:s30], [sflag:$0x1], $0x80, v4, vm0, $0xb8;
	[tilespmem:$0x10080] =	vst v63  }
0x98: {  	_ = 	snop  }
0x99: {  	[hbm4b:s6+s2] =	stream.indirect_vreg.scatter [tilespmem:s31], [sflag:$0x1], $0x80, v4, vm0, $0xb8;
	[tilespmem:$0x10080] =	vst v63  }
0x9a: {  	_ = 	snop  }
0x9b: {  	[hbm4b:s3+s2] =	stream.indirect_vreg.scatter [tilespmem:s0], [sflag:$0x1], $0x80, v3, vm0, $0xb8;
	[tilespmem:$0x10080] =	vst v63  }
0x9c: {  	_ = 	snop  }
0x9d: {  	[hbm4b:s4+s2] =	stream.indirect_vreg.scatter [tilespmem:s1], [sflag:$0x1], $0x80, v3, vm0, $0xb8;
	[tilespmem:$0x10080] =	vst v63  }
0x9e: {  	_ = 	snop  }
0x9f: {  	[hbm4b:s5+s2] =	stream.indirect_vreg.scatter [tilespmem:s9], [sflag:$0x1], $0x80, v3, vm0, $0xb8;
	[tilespmem:$0x10080] =	vst v63  }
0xa0: {  	_ = 	snop  }
0xa1: {  	[hbm4b:s6+s2] =	stream.indirect_vreg.scatter [tilespmem:s10], [sflag:$0x1], $0x80, v3, vm0, $0xb8;
	[tilespmem:$0x10080] =	vst v63  }
0xa2: {  	v3 =	vld [tilespmem:$0x10020];
	_ =	sdelay $0x4  }
0xa3: {  	v62 =	vshll.u32 v3, $0x3  }
0xa4: {  	v3 =	vand.u32 $0x7, v3;
	v4 =	vand.u32 $0xFFFFFFC0, v62  }
0xa5: {  	v3 =	vor.u32 v3, v4  }
0xa6: {  	v4 =	vperm.xlane v3, v0;
	_ =	sdelay $0x1  }
0xa7: {  	v4 =	vadd.s32 v1, v4;
	_ =	sdelay $0x4  }
0xa8: {  	[hbm4b:s3+s2] =	stream.indirect_vreg.scatter [tilespmem:s11], [sflag:$0x1], $0x80, v4, vm0, $0xb8;
	[tilespmem:$0x10080] =	vst v63  }
0xa9: {  	v3 =	vperm.xlane v3, v2  }
0xaa: {  	[hbm4b:s4+s2] =	stream.indirect_vreg.scatter [tilespmem:s12], [sflag:$0x1], $0x80, v4, vm0, $0xb8;
	[tilespmem:$0x10080] =	vst v63  }
0xab: {  	v3 =	vadd.s32 v1, v3  }
0xac: {  	[hbm4b:s5+s2] =	stream.indirect_vreg.scatter [tilespmem:s13], [sflag:$0x1], $0x80, v4, vm0, $0xb8;
	[tilespmem:$0x10080] =	vst v63  }
0xad: {  	_ = 	snop  }
0xae: {  	[hbm4b:s6+s2] =	stream.indirect_vreg.scatter [tilespmem:s14], [sflag:$0x1], $0x80, v4, vm0, $0xb8;
	[tilespmem:$0x10080] =	vst v63  }
0xaf: {  	_ = 	snop  }
0xb0: {  	[hbm4b:s3+s2] =	stream.indirect_vreg.scatter [tilespmem:s15], [sflag:$0x1], $0x80, v3, vm0, $0xb8;
	[tilespmem:$0x10080] =	vst v63  }
0xb1: {  	_ = 	snop  }
0xb2: {  	[hbm4b:s4+s2] =	stream.indirect_vreg.scatter [tilespmem:s16], [sflag:$0x1], $0x80, v3, vm0, $0xb8;
	[tilespmem:$0x10080] =	vst v63  }
0xb3: {  	s18 =	simm.s32 $0xB000  }
0xb4: {  	[hbm4b:s5+s2] =	stream.indirect_vreg.scatter [tilespmem:s18], [sflag:$0x1], $0x80, v3, vm0, $0xb8;
	[tilespmem:$0x10080] =	vst v63  }
0xb5: {  	s18 =	simm.s32 $0xB800  }
0xb6: {  	[hbm4b:s6+s2] =	stream.indirect_vreg.scatter [tilespmem:s18], [sflag:$0x1], $0x80, v3, vm0, $0xb8;
	[tilespmem:$0x10080] =	vst v63  }
0xb7: {  	v3 =	vld [tilespmem:$0x10030];
	_ =	sdelay $0x4  }
0xb8: {  	v63 =	vshll.u32 v3, $0x3  }
0xb9: {  	v3 =	vand.u32 $0x7, v3;
	v4 =	vand.u32 $0xFFFFFFC0, v63  }
0xba: {  	v3 =	vor.u32 v3, v4  }
0xbb: {  	v4 =	vperm.xlane v3, v0;
	_ =	sdelay $0x1  }
0xbc: {  	v4 =	vadd.s32 v1, v4;
	_ =	sdelay $0x3  }
0xbd: {  	s18 =	simm.s32 $0xC000  }
0xbe: {  	[hbm4b:s3+s2] =	stream.indirect_vreg.scatter [tilespmem:s18], [sflag:$0x1], $0x80, v4, vm0, $0xb8;
	[tilespmem:$0x10080] =	vst v63  }
0xbf: {  	v3 =	vperm.xlane v3, v2;
	s18 =	simm.s32 $0xC800  }
0xc0: {  	[hbm4b:s4+s2] =	stream.indirect_vreg.scatter [tilespmem:s18], [sflag:$0x1], $0x80, v4, vm0, $0xb8;
	[tilespmem:$0x10080] =	vst v63  }
0xc1: {  	v3 =	vadd.s32 v1, v3;
	s18 =	simm.s32 $0xD000  }
0xc2: {  	[hbm4b:s5+s2] =	stream.indirect_vreg.scatter [tilespmem:s18], [sflag:$0x1], $0x80, v4, vm0, $0xb8;
	[tilespmem:$0x10080] =	vst v63  }
0xc3: {  	s18 =	simm.s32 $0xD800  }
0xc4: {  	[hbm4b:s6+s2] =	stream.indirect_vreg.scatter [tilespmem:s18], [sflag:$0x1], $0x80, v4, vm0, $0xb8;
	[tilespmem:$0x10080] =	vst v63  }
0xc5: {  	s18 =	simm.s32 $0xE000  }
0xc6: {  	[hbm4b:s3+s2] =	stream.indirect_vreg.scatter [tilespmem:s18], [sflag:$0x1], $0x80, v3, vm0, $0xb8;
	[tilespmem:$0x10080] =	vst v63  }
0xc7: {  	s18 =	simm.s32 $0xE800  }
0xc8: {  	[hbm4b:s4+s2] =	stream.indirect_vreg.scatter [tilespmem:s18], [sflag:$0x1], $0x80, v3, vm0, $0xb8;
	[tilespmem:$0x10080] =	vst v63  }
0xc9: {  	p0 =	sne.s32 s7, $0x1;
	s18 =	simm.s32 $0xF000  }
0xca: {  	[hbm4b:s5+s2] =	stream.indirect_vreg.scatter [tilespmem:s18], [sflag:$0x1], $0x80, v3, vm0, $0xb8;
	[tilespmem:$0x10080] =	vst v63  }
.Ltmp0:
0xcb: {  	s18 =	simm.s32 $0xF800;
	(pc) =	sbr.rel @p0 .LBB2_1-.Ltmp0, $4  }
0xcc: {  	[hbm4b:s6+s2] =	stream.indirect_vreg.scatter [tilespmem:s18], [sflag:$0x1], $0x80, v3, vm0, $0xb8;
	[tilespmem:$0x10080] =	vst v63  }
0xcd: {  	_ =	swait.ge [sflag:s17], $0x10000  }
0xce: {  	[sflag:s17] =	ssyncset.done $0x0  }
0xcf: {  	s7 =	sadd.s32 $0xFFFFFFFF, s7;
	[sflag:s17] =	ssyncadd.s32 $0xFFFF0000  }
0xd0: {  	_ =	sfence.sel $0x180000  }
0xd1: {  	[bflag:$0x0] =	sbarrier.arrive $0xFFFF  }
0xd2: {  	_ =	strace $0x90000047  }
0xd3: {  	s0 =	stileid.u32;
	[bflag:$0x2] =	sbarrier.arrive $0xFFFF  }
0xd4: {  	p0 =	sne.s32 s0, $0x0;
	s0 =	rddreg [dreg:$0x2]  }
0xd5: {  	s0 =	sadd.s32 @!p0 $0x100000, s0  }
0xd6: {  	[sflag:s0] =	ssyncadd.tile.s32 @!p0 $0x1;
	_ =	shalt  }
.Lfunc_end2:
_tile_overlayer_lowered:
.L_overlay_start_2:
0xd7: {  	(tag) =	ssettag $0x2  }
0xd8: {  	s0 =	rddreg [dreg:$0x0];
	s2 =	stileid.u32  }
0xd9: {  	s1 =	rddreg [dreg:$0x1];
	p0 =	sne.s32 s2, $0x0  }
0xda: {  	s3 =	rddreg [dreg:$0x2];
	[bflag:$0x3] =	sbarrier.arrive $0xFFFF;
	s2 =	simm.s32 @!p0 $0x1C02  }
0xdb: {  	[timem:s3], [sflag:s2] =	dma.local @!p0 [hbm:s0], s1  }
0xdc: {  	s0 =	simm.s32 @!p0 $0x2  }
0xdd: {  	_ =	swait.ge @!p0 [sflag:s0], s1  }
0xde: {  	s1 =	ssub.s32 @!p0 $0x0, s1;
	[sflag:s0] =	ssyncset.done @!p0 $0x0  }
0xdf: {  	[sflag:s0] =	ssyncadd.s32 @!p0 s1  }
0xe0: {  	[bflag:$0x3] =	sbarrier.arrive $0xFFFF  }
0xe1: {  	_ =	shalt  }

// kernel: kernel.13.cloned.1.call-start
scs
__scs_entry_jumppad:
0x0: {  	(pc) =	sbr.rel $0x88, $3  }
0x1: {  	(tag) =	ssettag $0x0;
	lr =	simm.s32 $0x1  }
0x2: {  	[smem:$0x3F98] =	sst lr;
	_ =	strace $0xD0000000  }
0x3: {  	_ = 	snop  }
0x4: {  	_ = 	snop  }
0x5: {  	_ = 	snop  }
0x6: {  	_ = 	snop  }
0x7: {  	_ = 	snop  }
__scs_overlays_trampoline_lowered:
0x8: {  	[smem:$0x3FA7] =	sst s0  }
0x9: {  	[smem:$0x3FA8] =	sst s1  }
0xa: {  	[smem:$0x3FA9] =	sst s2  }
0xb: {  	[smem:$0x3FAA] =	sst s3  }
0xc: {  	[smem:$0x3FAB] =	sst s4  }
0xd: {  	[smem:$0x3FAC] =	sst s5  }
0xe: {  	[smem:$0x3FAD] =	sst s6  }
0xf: {  	[smem:$0x3FAE] =	sst s7  }
0x10: {  	[smem:$0x3FAF] =	sst s8  }
0x11: {  	[smem:$0x3FB0] =	sst s9;
	s0 =	simm.s32 @!p0 $0x0  }
0x12: {  	s1 =	sld [smem:$0x3F96];
	s0 =	simm.s32 @p0 $0x1  }
0x13: {  	[smem:$0x3FB1] =	sst s0;
	s0 =	simm.s32 @!p1 $0x0  }
0x14: {  	s2 =	sld [smem:$0x3F95];
	s0 =	simm.s32 @p1 $0x1  }
0x15: {  	[smem:$0x3FB2] =	sst s0;
	s0 =	simm.s32 @!p2 $0x0  }
0x16: {  	s3 =	sld [smem:$0x3FDB];
	s0 =	simm.s32 @p2 $0x1  }
0x17: {  	s4 =	simm.s32 $0x1BF5;
	[smem:$0x3FB4] =	sst s0  }
0x18: {  	s0 =	sld [smem:$0x3F97];
	_ =	swait.ge [sflag:s4], $0x0  }
0x19: {  	s7 =	sld [smem:$0x3F98]  }
0x1a: {  	s8 =	sadd.s32 $0xFFFFE003, lr  }
0x1b: {  	s9 =	sadd.s32 $0xFFFFFEF7, lr;
	s5 =	simm.s32 $0xFFFFFFFF;
	p2 =	slt.u32 s8, $0xFFFFF086  }
0x1c: {  	p1 =	slt.u32 s9, $0xF7A;
	s5 =	simm.s32 @!p2 $0x0  }
0x1d: {  	s5 =	simm.s32 @p1 $0x1;
	p0 =	seq.s32 s7, s2  }
0x1e: {  	s7 =	smul.u32 @!p0 $0xF7A, s2;
	p2 =	seq.s32 @!p0 s5, $0x0  }
0x1f: {  	s9 =	smul.u32 $0xF7A, s1;
	s8 =	simm.s32 @!p0 $0x1BF5;
	p2 =	por !p2, p0  }
0x20: {  	[sflag:s8] =	ssyncset.s32 @!p0 $0xFFFFF086;
	s6 =	sadd.s32 @!p0 s3, s7;
	s7 =	simm.s32 @!p0 $0x108  }
0x21: {  	s3 =	sadd.s32 s3, s9;
	s6 =	sadd.s32 @!p0 $0x88, s6;
	s7 =	simm.s32 @p2 $0x1082  }
0x22: {  	[simem:s7], [sflag:s8] =	dma.local @!p0 [hbm:s6], $0xF7A  }
0x23: {  	s9 =	sor.u32 $0xD0000000, s2;
	s6 =	simm.s32 $0x108;
	_ =	swait.ge @!p0 [sflag:s8], $0x0  }
0x24: {  	s3 =	sadd.s32 $0x88, s3;
	s6 =	simm.s32 @!p1 $0x1082;
	[sflag:s4] =	ssyncset.s32 $0xFFFFF086  }
0x25: {  	[simem:s6], [sflag:s4] =	dma.local [hbm:s3], $0xF7A  }
0x26: {  	[smem:$0x3F98] =	sst s1;
	(tag) =	ssettag s2;
	_ =	strace s9  }
0x27: {  	s1 =	sld [smem:$0x3FA8]  }
0x28: {  	s2 =	sld [smem:$0x3FA9]  }
0x29: {  	s4 =	sld [smem:$0x3FAB]  }
0x2a: {  	p0 =	seq.s32 s5, $0x0;
	s5 =	sld [smem:$0x3FAC]  }
0x2b: {  	s6 =	sld [smem:$0x3FAD]  }
0x2c: {  	s7 =	sld [smem:$0x3FAE]  }
0x2d: {  	s3 =	simm.s32 $0x108;
	s8 =	sld [smem:$0x3FAF]  }
0x2e: {  	s3 =	simm.s32 @!p0 $0x1082;
	s9 =	sld [smem:$0x3FB0]  }
0x2f: {  	lr =	sadd.s32 s0, s3;
	s0 =	sld [smem:$0x3FA7]  }
0x30: {  	s3 =	sld [smem:$0x3FAA]  }
0x31: {  	[smem:$0x3FB3] =	sst s10  }
0x32: {  	s10 =	sld [smem:$0x3FB1];
	_ =	sdelay $0x3  }
0x33: {  	p0 =	seq.s32 s10, $0x1;
	s10 =	sld [smem:$0x3FB3];
	_ =	sdelay $0x3  }
0x34: {  	[smem:$0x3FB3] =	sst s10  }
0x35: {  	s10 =	sld [smem:$0x3FB2];
	_ =	sdelay $0x3  }
0x36: {  	p1 =	seq.s32 s10, $0x1;
	s10 =	sld [smem:$0x3FB3];
	_ =	sdelay $0x3  }
0x37: {  	[smem:$0x3FB3] =	sst s10  }
0x38: {  	s10 =	sld [smem:$0x3FB4]  }
0x39: {  	_ = 	snop;
	(pc) =	sbr.ind lr, $3  }
0x3a: {  	_ = 	snop  }
0x3b: {  	_ = 	snop  }
0x3c: {  	p2 =	seq.s32 s10, $0x1;
	s10 =	sld [smem:$0x3FB3]  }
0x3d: {  	_ =	shalt  }
0x3e: {  	_ =	shalt  }
0x3f: {  	_ =	shalt  }
0x40: {  	_ =	shalt  }
0x41: {  	_ =	shalt  }
0x42: {  	_ =	shalt  }
0x43: {  	_ =	shalt  }
0x44: {  	_ =	shalt  }
0x45: {  	_ =	shalt  }
0x46: {  	_ =	shalt  }
0x47: {  	_ =	shalt  }
0x48: {  	_ =	shalt  }
0x49: {  	_ =	shalt  }
0x4a: {  	_ =	shalt  }
0x4b: {  	_ =	shalt  }
0x4c: {  	_ =	shalt  }
0x4d: {  	_ =	shalt  }
0x4e: {  	_ =	shalt  }
0x4f: {  	_ =	shalt  }
0x50: {  	_ =	shalt  }
0x51: {  	_ =	shalt  }
0x52: {  	_ =	shalt  }
0x53: {  	_ =	shalt  }
0x54: {  	_ =	shalt  }
0x55: {  	_ =	shalt  }
0x56: {  	_ =	shalt  }
0x57: {  	_ =	shalt  }
0x58: {  	_ =	shalt  }
0x59: {  	_ =	shalt  }
0x5a: {  	_ =	shalt  }
0x5b: {  	_ =	shalt  }
0x5c: {  	_ =	shalt  }
0x5d: {  	_ =	shalt  }
0x5e: {  	_ =	shalt  }
0x5f: {  	_ =	shalt  }
0x60: {  	_ =	shalt  }
0x61: {  	_ =	shalt  }
0x62: {  	_ =	shalt  }
0x63: {  	_ =	shalt  }
0x64: {  	_ =	shalt  }
0x65: {  	_ =	shalt  }
0x66: {  	_ =	shalt  }
0x67: {  	_ =	shalt  }
0x68: {  	_ =	shalt  }
0x69: {  	_ =	shalt  }
0x6a: {  	_ =	shalt  }
0x6b: {  	_ =	shalt  }
0x6c: {  	_ =	shalt  }
0x6d: {  	_ =	shalt  }
0x6e: {  	_ =	shalt  }
0x6f: {  	_ =	shalt  }
0x70: {  	_ =	shalt  }
0x71: {  	_ =	shalt  }
0x72: {  	_ =	shalt  }
0x73: {  	_ =	shalt  }
0x74: {  	_ =	shalt  }
0x75: {  	_ =	shalt  }
0x76: {  	_ =	shalt  }
0x77: {  	_ =	shalt  }
0x78: {  	_ =	shalt  }
0x79: {  	_ =	shalt  }
0x7a: {  	_ =	shalt  }
0x7b: {  	_ =	shalt  }
0x7c: {  	_ =	shalt  }
0x7d: {  	_ =	shalt  }
0x7e: {  	_ =	shalt  }
0x7f: {  	_ =	shalt  }
0x80: {  	_ =	shalt  }
0x81: {  	_ =	shalt  }
0x82: {  	_ =	shalt  }
0x83: {  	_ =	shalt  }
0x84: {  	_ =	shalt  }
0x85: {  	_ =	shalt  }
0x86: {  	_ =	shalt  }
0x87: {  	_ =	shalt  }
.Lfunc_end0:
.L_simem_size_0:
called_computation.1_lowered:
.L_overlay_start_0:
0x88: {  	s2 =	sld [smem:$0x3FD9]  }
0x89: {  	s3 =	sld [smem:$0x3FFE];
	_ =	sdelay $0x1  }
0x8a: {  	s1 =	srdreg.scid  }
0x8b: {  	s0 =	sand.u32 $0x1, s1  }
0x8c: {  	s14 =	sshll.u32 s0, $0xA;
	s2 =	sadd.s32 s3, s2  }
0x8d: {  	s2 =	sadd.s32 s2, s14  }
0x8e: {  	[smem:$0x3FBF] =	sst s2  }
0x8f: {  	_ = 	snop  }
0x90: {  	s2 =	sld [smem:$0x3FD0];
	_ =	sdelay $0x2  }
0x91: {  	s15 =	simm.s32 $0xA;
	s4 =	simm.s32 $0x10  }
0x92: {  	[smem:s4], [sflag:s15] =	dma.local [hbm:s2], $0x1  }
0x93: {  	_ =	swait.eq [sflag:s15], $0x1  }
0x94: {  	[sflag:s15] =	ssyncset.done $0x0  }
0x95: {  	[sflag:s15] =	ssyncadd.s32 $0xFFFFFFFF  }
0x96: {  	s16 =	sld [smem:$0x10];
	(tm) =	ssettm $0x1  }
0x97: {  	s17 =	sld [smem:$0x3FFB];
	_ =	sdelay $0x3  }
0x98: {  	_ =	strace s17  }
0x99: {  	s3 =	sld [smem:$0x3FFC];
	_ =	sdelay $0x3  }
0x9a: {  	_ =	strace s3  }
0x9b: {  	s3 =	sld [smem:$0x3FFD];
	_ =	sdelay $0x3  }
0x9c: {  	_ =	strace s3  }
0x9d: {  	_ =	strace $0x8FFFFFFF  }
0x9e: {  	s18 =	sld [smem:$0x3FDB];
	_ =	sdelay $0x1  }
0x9f: {  	s19 =	simm.s32 $_scs_section_size  }
0xa0: {  	s5 =	simm.s32 $_size__tile_overlayer_lowered;
	s6 =	simm.s32 $_tile_overlayer_lowered  }
0xa1: {  	s22 =	simm.s32 $0x1BFF;
	s21 =	sshll.u32 s6, $0x1;
	s3 =	sadd.s32 s19, s18  }
0xa2: {  	s7 =	simm.s32 $0x0;
	s20 =	sshll.u32 s5, $0x1;
	s5 =	sadd.s32 s21, s3  }
0xa3: {  	[timem:s7], [sflag:s22] =	dma.local [hbm:s5], s20  }
0xa4: {  	_ =	swait.ge [sflag:s22], s20  }
0xa5: {  	s4 =	ssub.s32 $0x0, s20;
	[sflag:s22] =	ssyncset.done $0x0  }
0xa6: {  	[sflag:s22] =	ssyncadd.s32 s4;
	_ =	sdelay $0x1  }
0xa7: {  	s23 =	simm.s32 $0x1B8B  }
0xa8: {  	_ =	swait.ge [sflag:s23], $0x1  }
0xa9: {  	[sflag:s23] =	ssyncset.done $0x0  }
0xaa: {  	s25 =	simm.s32 $0x1B8E;
	s24 =	sld [smem:$0x3FFE];
	[sflag:s23] =	ssyncadd.s32 $0xFFFFFFFF  }
0xab: {  	s26 =	simm.s32 $execute0_lowered;
	[smem:$0x3FD2] =	sst s25  }
0xac: {  	s5 =	sshll.u32 s26, $0x1;
	_ =	strace $0x80000049;
	[dreg:$0x1] =	wrdreg $0xFFFFFFFF  }
0xad: {  	s28 =	simm.s32 $_size_execute0_lowered;
	s3 =	sadd.s32 s3, s5;
	[dreg:$0x0] =	wrdreg $0x0  }
0xae: {  	s5 =	sshll.u32 s28, $0x1;
	[dreg:$0x2] =	wrdreg s3  }
0xaf: {  	[dreg:$0x3] =	wrdreg s5  }
0xb0: {  	[dreg:$0x4] =	wrdreg $0xC0  }
0xb1: {  	_ =	task [dreg:s7], $0x5FFFF  }
0xb2: {  	[dreg:$0x1] =	wrdreg $0xFFFFFFFF  }
0xb3: {  	[dreg:$0x0] =	wrdreg $0x60  }
0xb4: {  	[dreg:$0x2] =	wrdreg s24  }
0xb5: {  	[dreg:$0x3] =	wrdreg s16  }
0xb6: {  	[dreg:$0x4] =	wrdreg $0x9  }
0xb7: {  	_ =	task.clear_ibuf [dreg:s7], $0x5FFFF;
	_ =	strace $0x90000049  }
0xb8: {  	s29 =	simm.s32 $0x9;
	_ =	strace $0x8000004B  }
0xb9: {  	_ =	swait.ge [sflag:s29], $0x1  }
0xba: {  	[sflag:s29] =	ssyncadd.s32 $0xFFFFFFFF  }
0xbb: {  	_ =	strace $0x9000004B  }
0xbc: {  	_ =	sfence  }
0xbd: {  	s30 =	sld [smem:$0x0];
	_ =	sdelay $0x2  }
0xbe: {  	s31 =	sshll.u32 s1, $0xD;
	s1 =	sshrl.u32 s1, $0x2  }
0xbf: {  	s3 =	sand.u32 $0x4000, s31;
	s1 =	sadd.s32 s1, s30  }
0xc0: {  	s0 =	sor.u32 s3, s0;
	s1 =	sshll.u32 s1, $0x11  }
0xc1: {  	s0 =	sor.u32 s1, s0  }
0xc2: {  	s0 =	sadd.s32 $0x8F2B, s0  }
0xc3: {  	[sflag:s0] =	ssyncadd.remote.s32 $0x1  }
0xc4: {  	_ =	sfence.sel $0xFFFF  }
0xc5: {  	[dreg:$0x0] =	wrdreg $0xFFFFFFFF;
	(pc) =	sbr.abs _section_cstart, $3  }
0xc6: {  	[dreg:$0x1] =	wrdreg $0xFFFFFFFF  }
0xc7: {  	_ =	task.clear_ibuf [dreg:s7], $0x2FFFF;
	_ =	strace $0x9FFFFFFF  }
0xc8: {  	(tm) =	ssettm $0x7FFFFFFF  }
0xc9: {  	_ =	shalt  }
tec
execute0_lowered:
.L_overlay_start_1:
0x0: {  	(tag) =	ssettag $0x1  }
0x1: {  	s0 =	rddreg [dreg:$0x0]  }
0x2: {  	s1 =	rddreg [dreg:$0x1];
	s3 =	srdreg.scid;
	s2 =	simm.s32 $0x0  }
0x3: {  	s7 =	stileid.u32;
	s17 =	simm.s32 $0x1;
	s19 =	simm.s32 $0x10000  }
0x4: {  	s28 =	simm.s32 $0x4000;
	s29 =	simm.s32 $0x4800;
	s30 =	simm.s32 $0x5000  }
0x5: {  	s31 =	simm.s32 $0x5800;
	s10 =	simm.s32 $0x7800;
	s11 =	simm.s32 $0x8000  }
0x6: {  	s12 =	simm.s32 $0x8800;
	s13 =	simm.s32 $0x9000;
	s14 =	simm.s32 $0x9800  }
0x7: {  	s15 =	simm.s32 $0xA000;
	s16 =	simm.s32 $0xA800;
	s4 =	sand.u32 $0x1, s3  }
0x8: {  	[smem:$0x7FF] =	sst s2;
	s6 =	sshll.u32 s7, $0x7;
	s3 =	sadd.s32 $0x2C00, s0  }
0x9: {  	s20 =	sshll.u32 s7, $0xE;
	s5 =	sshll.u32 s4, $0x3;
	_ =	strace $0x8000004A  }
0xa: {  	s21 =	sshll.u32 s4, $0xD;
	s4 =	ssub.s32 $0x2, s4;
	s5 =	sor.u32 s5, s6  }
0xb: {  	s22 =	sor.u32 s21, s20;
	s23 =	sshrl.u32 s4, $0x1;
	s6 =	sadd.s32 $0x2F00, s0  }
0xc: {  	s20 =	simm.s32 $0x800;
	s21 =	simm.s32 $0x1000;
	s8 =	sadd.s32 s5, s0  }
0xd: {  	s7 =	sadd.s32 s22, s0;
	s9 =	ssub.s32 s4, s23;
	s4 =	sadd.s32 $0x2D00, s0  }
0xe: {  	s1 =	sadd.s32 s1, s22;
	s5 =	sadd.s32 $0x2E00, s0;
	s22 =	simm.s32 $0x1800  }
0xf: {  	s23 =	simm.s32 $0x2000;
	s24 =	sadd.s32 $0x1C00, s8;
	[dreg:$0x4] =	wrdreg s1  }
0x10: {  	s25 =	sadd.s32 $0x2400, s8;
	s26 =	sadd.s32 $0x82C00, s7;
	[dreg:$0x3] =	wrdreg s24  }
0x11: {  	v2 =	vlaneseq.u32;
	s7 =	smax.u32 s9, $0x1;
	s9 =	simm.s32 $0x2;
	[dreg:$0x5] =	wrdreg s25  }
0x12: {  	vm0 =	vmmov $0xffff;
	v1 =	vshrl.u32 v2, $0x3;
	s1 =	simm.s32 $0x6800;
	s8 =	simm.s32 $0x7000;
	[dreg:$0x6] =	wrdreg s26  }
0x13: {  	v0 =	vand.u32 $0x7, v2;
	v2 =	vor.u32 $0x8, v2;
	v1 =	vmul.u32 $0x8, v1;
	s24 =	simm.s32 $0x2800;
	s25 =	simm.s32 $0x3000;
	s26 =	simm.s32 $0x3800  }
.LBB2_1:
0x14: {  	s18 =	rddreg [dreg:$0x3]  }
0x15: {  	[tilespmem:s19], [sflag:$0x2] =	stream.linear.gather [hbm4b:s18+s2], $0x40, $0x38;
	[tilespmem:$0x10080] =	vst v63  }
0x16: {  	_ =	swait.ge [sflag:s9], $0x40  }
0x17: {  	[sflag:s9] =	ssyncset.done $0x0  }
0x18: {  	[sflag:s9] =	ssyncadd.s32 $0xFFFFFFC0  }
0x19: {  	v3 =	vld [tilespmem:$0x10000];
	_ =	sdelay $0x4  }
0x1a: {  	v4 =	vshll.u32 v3, $0x3  }
0x1b: {  	v3 =	vand.u32 $0x7, v3;
	v4 =	vand.u32 $0xFFFFFFC0, v4  }
0x1c: {  	v3 =	vor.u32 v3, v4  }
0x1d: {  	v4 =	vperm.xlane v3, v0;
	_ =	sdelay $0x1  }
0x1e: {  	v4 =	vadd.s32 v1, v4;
	_ =	sdelay $0x4  }
0x1f: {  	[tilespmem:s2], [sflag:$0x1] =	stream.indirect_vreg.gather [hbm4b:s3+s2], $0x80, v4, vm0, $0xb8;
	[tilespmem:$0x10080] =	vst v63  }
0x20: {  	v3 =	vperm.xlane v3, v2  }
0x21: {  	[tilespmem:s20], [sflag:$0x1] =	stream.indirect_vreg.gather [hbm4b:s4+s2], $0x80, v4, vm0, $0xb8;
	[tilespmem:$0x10080] =	vst v63  }
0x22: {  	v3 =	vadd.s32 v1, v3  }
0x23: {  	[tilespmem:s21], [sflag:$0x1] =	stream.indirect_vreg.gather [hbm4b:s5+s2], $0x80, v4, vm0, $0xb8;
	[tilespmem:$0x10080] =	vst v63  }
0x24: {  	_ = 	snop  }
0x25: {  	[tilespmem:s22], [sflag:$0x1] =	stream.indirect_vreg.gather [hbm4b:s6+s2], $0x80, v4, vm0, $0xb8;
	[tilespmem:$0x10080] =	vst v63  }
0x26: {  	_ = 	snop  }
0x27: {  	[tilespmem:s23], [sflag:$0x1] =	stream.indirect_vreg.gather [hbm4b:s3+s2], $0x80, v3, vm0, $0xb8;
	[tilespmem:$0x10080] =	vst v63  }
0x28: {  	_ = 	snop  }
0x29: {  	[tilespmem:s24], [sflag:$0x1] =	stream.indirect_vreg.gather [hbm4b:s4+s2], $0x80, v3, vm0, $0xb8;
	[tilespmem:$0x10080] =	vst v63  }
0x2a: {  	_ = 	snop  }
0x2b: {  	[tilespmem:s25], [sflag:$0x1] =	stream.indirect_vreg.gather [hbm4b:s5+s2], $0x80, v3, vm0, $0xb8;
	[tilespmem:$0x10080] =	vst v63  }
0x2c: {  	_ = 	snop  }
0x2d: {  	[tilespmem:s26], [sflag:$0x1] =	stream.indirect_vreg.gather [hbm4b:s6+s2], $0x80, v3, vm0, $0xb8;
	[tilespmem:$0x10080] =	vst v63  }
0x2e: {  	v3 =	vld [tilespmem:$0x10010];
	_ =	sdelay $0x4  }
0x2f: {  	v57 =	vshll.u32 v3, $0x3  }
0x30: {  	v3 =	vand.u32 $0x7, v3;
	v4 =	vand.u32 $0xFFFFFFC0, v57  }
0x31: {  	v3 =	vor.u32 v3, v4  }
0x32: {  	v4 =	vperm.xlane v3, v0;
	_ =	sdelay $0x1  }
0x33: {  	v4 =	vadd.s32 v1, v4;
	_ =	sdelay $0x4  }
0x34: {  	[tilespmem:s28], [sflag:$0x1] =	stream.indirect_vreg.gather [hbm4b:s3+s2], $0x80, v4, vm0, $0xb8;
	[tilespmem:$0x10080] =	vst v63  }
0x35: {  	v3 =	vperm.xlane v3, v2  }
0x36: {  	[tilespmem:s29], [sflag:$0x1] =	stream.indirect_vreg.gather [hbm4b:s4+s2], $0x80, v4, vm0, $0xb8;
	[tilespmem:$0x10080] =	vst v63  }
0x37: {  	v3 =	vadd.s32 v1, v3  }
0x38: {  	[tilespmem:s30], [sflag:$0x1] =	stream.indirect_vreg.gather [hbm4b:s5+s2], $0x80, v4, vm0, $0xb8;
	[tilespmem:$0x10080] =	vst v63  }
0x39: {  	_ = 	snop  }
0x3a: {  	[tilespmem:s31], [sflag:$0x1] =	stream.indirect_vreg.gather [hbm4b:s6+s2], $0x80, v4, vm0, $0xb8;
	[tilespmem:$0x10080] =	vst v63  }
0x3b: {  	s0 =	simm.s32 $0x6000  }
0x3c: {  	[tilespmem:s0], [sflag:$0x1] =	stream.indirect_vreg.gather [hbm4b:s3+s2], $0x80, v3, vm0, $0xb8;
	[tilespmem:$0x10080] =	vst v63  }
0x3d: {  	_ = 	snop  }
0x3e: {  	[tilespmem:s1], [sflag:$0x1] =	stream.indirect_vreg.gather [hbm4b:s4+s2], $0x80, v3, vm0, $0xb8;
	[tilespmem:$0x10080] =	vst v63  }
0x3f: {  	_ = 	snop  }
0x40: {  	[tilespmem:s8], [sflag:$0x1] =	stream.indirect_vreg.gather [hbm4b:s5+s2], $0x80, v3, vm0, $0xb8;
	[tilespmem:$0x10080] =	vst v63  }
0x41: {  	_ = 	snop  }
0x42: {  	[tilespmem:s10], [sflag:$0x1] =	stream.indirect_vreg.gather [hbm4b:s6+s2], $0x80, v3, vm0, $0xb8;
	[tilespmem:$0x10080] =	vst v63  }
0x43: {  	v3 =	vld [tilespmem:$0x10020];
	_ =	sdelay $0x4  }
0x44: {  	v58 =	vshll.u32 v3, $0x3  }
0x45: {  	v3 =	vand.u32 $0x7, v3;
	v4 =	vand.u32 $0xFFFFFFC0, v58  }
0x46: {  	v3 =	vor.u32 v3, v4  }
0x47: {  	v4 =	vperm.xlane v3, v0;
	_ =	sdelay $0x1  }
0x48: {  	v4 =	vadd.s32 v1, v4;
	_ =	sdelay $0x4  }
0x49: {  	[tilespmem:s11], [sflag:$0x1] =	stream.indirect_vreg.gather [hbm4b:s3+s2], $0x80, v4, vm0, $0xb8;
	[tilespmem:$0x10080] =	vst v63  }
0x4a: {  	v3 =	vperm.xlane v3, v2  }
0x4b: {  	[tilespmem:s12], [sflag:$0x1] =	stream.indirect_vreg.gather [hbm4b:s4+s2], $0x80, v4, vm0, $0xb8;
	[tilespmem:$0x10080] =	vst v63  }
0x4c: {  	v3 =	vadd.s32 v1, v3  }
0x4d: {  	[tilespmem:s13], [sflag:$0x1] =	stream.indirect_vreg.gather [hbm4b:s5+s2], $0x80, v4, vm0, $0xb8;
	[tilespmem:$0x10080] =	vst v63  }
0x4e: {  	_ = 	snop  }
0x4f: {  	[tilespmem:s14], [sflag:$0x1] =	stream.indirect_vreg.gather [hbm4b:s6+s2], $0x80, v4, vm0, $0xb8;
	[tilespmem:$0x10080] =	vst v63  }
0x50: {  	_ = 	snop  }
0x51: {  	[tilespmem:s15], [sflag:$0x1] =	stream.indirect_vreg.gather [hbm4b:s3+s2], $0x80, v3, vm0, $0xb8;
	[tilespmem:$0x10080] =	vst v63  }
0x52: {  	_ = 	snop  }
0x53: {  	[tilespmem:s16], [sflag:$0x1] =	stream.indirect_vreg.gather [hbm4b:s4+s2], $0x80, v3, vm0, $0xb8;
	[tilespmem:$0x10080] =	vst v63  }
0x54: {  	s18 =	simm.s32 $0xB000  }
0x55: {  	[tilespmem:s18], [sflag:$0x1] =	stream.indirect_vreg.gather [hbm4b:s5+s2], $0x80, v3, vm0, $0xb8;
	[tilespmem:$0x10080] =	vst v63  }
0x56: {  	s18 =	simm.s32 $0xB800  }
0x57: {  	[tilespmem:s18], [sflag:$0x1] =	stream.indirect_vreg.gather [hbm4b:s6+s2], $0x80, v3, vm0, $0xb8;
	[tilespmem:$0x10080] =	vst v63  }
0x58: {  	v3 =	vld [tilespmem:$0x10030];
	_ =	sdelay $0x4  }
0x59: {  	v59 =	vshll.u32 v3, $0x3  }
0x5a: {  	v3 =	vand.u32 $0x7, v3;
	v4 =	vand.u32 $0xFFFFFFC0, v59  }
0x5b: {  	v3 =	vor.u32 v3, v4  }
0x5c: {  	v4 =	vperm.xlane v3, v0;
	_ =	sdelay $0x1  }
0x5d: {  	v4 =	vadd.s32 v1, v4;
	_ =	sdelay $0x3  }
0x5e: {  	s18 =	simm.s32 $0xC000  }
0x5f: {  	[tilespmem:s18], [sflag:$0x1] =	stream.indirect_vreg.gather [hbm4b:s3+s2], $0x80, v4, vm0, $0xb8;
	[tilespmem:$0x10080] =	vst v63  }
0x60: {  	v3 =	vperm.xlane v3, v2;
	s18 =	simm.s32 $0xC800  }
0x61: {  	[tilespmem:s18], [sflag:$0x1] =	stream.indirect_vreg.gather [hbm4b:s4+s2], $0x80, v4, vm0, $0xb8;
	[tilespmem:$0x10080] =	vst v63  }
0x62: {  	v3 =	vadd.s32 v1, v3;
	s18 =	simm.s32 $0xD000  }
0x63: {  	[tilespmem:s18], [sflag:$0x1] =	stream.indirect_vreg.gather [hbm4b:s5+s2], $0x80, v4, vm0, $0xb8;
	[tilespmem:$0x10080] =	vst v63  }
0x64: {  	s18 =	simm.s32 $0xD800  }
0x65: {  	[tilespmem:s18], [sflag:$0x1] =	stream.indirect_vreg.gather [hbm4b:s6+s2], $0x80, v4, vm0, $0xb8;
	[tilespmem:$0x10080] =	vst v63  }
0x66: {  	s18 =	simm.s32 $0xE000  }
0x67: {  	[tilespmem:s18], [sflag:$0x1] =	stream.indirect_vreg.gather [hbm4b:s3+s2], $0x80, v3, vm0, $0xb8;
	[tilespmem:$0x10080] =	vst v63  }
0x68: {  	s18 =	simm.s32 $0xE800  }
0x69: {  	[tilespmem:s18], [sflag:$0x1] =	stream.indirect_vreg.gather [hbm4b:s4+s2], $0x80, v3, vm0, $0xb8;
	[tilespmem:$0x10080] =	vst v63  }
0x6a: {  	s18 =	simm.s32 $0xF000  }
0x6b: {  	[tilespmem:s18], [sflag:$0x1] =	stream.indirect_vreg.gather [hbm4b:s5+s2], $0x80, v3, vm0, $0xb8;
	[tilespmem:$0x10080] =	vst v63  }
0x6c: {  	s18 =	simm.s32 $0xF800  }
0x6d: {  	[tilespmem:s18], [sflag:$0x1] =	stream.indirect_vreg.gather [hbm4b:s6+s2], $0x80, v3, vm0, $0xb8;
	[tilespmem:$0x10080] =	vst v63  }
0x6e: {  	_ =	swait.ge [sflag:s17], $0x10000  }
0x6f: {  	[sflag:s17] =	ssyncset.done $0x0  }
0x70: {  	s18 =	rddreg [dreg:$0x4];
	[sflag:s17] =	ssyncadd.s32 $0xFFFF0000  }
0x71: {  	[hbm4b:s18+s2] =	stream.linear.scatter [tilespmem:s2], [sflag:$0x2], $0x10000, $0x38;
	[tilespmem:$0x10080] =	vst v63  }
0x72: {  	_ =	swait.ge [sflag:s9], $0x10000  }
0x73: {  	[sflag:s9] =	ssyncset.done $0x0  }
0x74: {  	s18 =	rddreg [dreg:$0x5];
	[sflag:s9] =	ssyncadd.s32 $0xFFFF0000  }
0x75: {  	[tilespmem:s19], [sflag:$0x2] =	stream.linear.gather [hbm4b:s18+s2], $0x40, $0x38;
	[tilespmem:$0x10080] =	vst v63  }
0x76: {  	_ =	swait.ge [sflag:s9], $0x40  }
0x77: {  	[sflag:s9] =	ssyncset.done $0x0  }
0x78: {  	[sflag:s9] =	ssyncadd.s32 $0xFFFFFFC0  }
0x79: {  	v3 =	vld [tilespmem:$0x10000];
	_ =	sdelay $0x4  }
0x7a: {  	v60 =	vshll.u32 v3, $0x3  }
0x7b: {  	v3 =	vand.u32 $0x7, v3;
	v4 =	vand.u32 $0xFFFFFFC0, v60  }
0x7c: {  	v3 =	vor.u32 v3, v4  }
0x7d: {  	v4 =	vperm.xlane v3, v0;
	_ =	sdelay $0x1  }
0x7e: {  	v4 =	vadd.s32 v1, v4;
	_ =	sdelay $0x4  }
0x7f: {  	[tilespmem:s2], [sflag:$0x1] =	stream.indirect_vreg.gather [hbm4b:s3+s2], $0x80, v4, vm0, $0xb8;
	[tilespmem:$0x10080] =	vst v63  }
0x80: {  	v3 =	vperm.xlane v3, v2  }
0x81: {  	[tilespmem:s20], [sflag:$0x1] =	stream.indirect_vreg.gather [hbm4b:s4+s2], $0x80, v4, vm0, $0xb8;
	[tilespmem:$0x10080] =	vst v63  }
0x82: {  	v3 =	vadd.s32 v1, v3  }
0x83: {  	[tilespmem:s21], [sflag:$0x1] =	stream.indirect_vreg.gather [hbm4b:s5+s2], $0x80, v4, vm0, $0xb8;
	[tilespmem:$0x10080] =	vst v63  }
0x84: {  	_ = 	snop  }
0x85: {  	[tilespmem:s22], [sflag:$0x1] =	stream.indirect_vreg.gather [hbm4b:s6+s2], $0x80, v4, vm0, $0xb8;
	[tilespmem:$0x10080] =	vst v63  }
0x86: {  	_ = 	snop  }
0x87: {  	[tilespmem:s23], [sflag:$0x1] =	stream.indirect_vreg.gather [hbm4b:s3+s2], $0x80, v3, vm0, $0xb8;
	[tilespmem:$0x10080] =	vst v63  }
0x88: {  	_ = 	snop  }
0x89: {  	[tilespmem:s24], [sflag:$0x1] =	stream.indirect_vreg.gather [hbm4b:s4+s2], $0x80, v3, vm0, $0xb8;
	[tilespmem:$0x10080] =	vst v63  }
0x8a: {  	_ = 	snop  }
0x8b: {  	[tilespmem:s25], [sflag:$0x1] =	stream.indirect_vreg.gather [hbm4b:s5+s2], $0x80, v3, vm0, $0xb8;
	[tilespmem:$0x10080] =	vst v63  }
0x8c: {  	_ = 	snop  }
0x8d: {  	[tilespmem:s26], [sflag:$0x1] =	stream.indirect_vreg.gather [hbm4b:s6+s2], $0x80, v3, vm0, $0xb8;
	[tilespmem:$0x10080] =	vst v63  }
0x8e: {  	v3 =	vld [tilespmem:$0x10010];
	_ =	sdelay $0x4  }
0x8f: {  	v61 =	vshll.u32 v3, $0x3  }
0x90: {  	v3 =	vand.u32 $0x7, v3;
	v4 =	vand.u32 $0xFFFFFFC0, v61  }
0x91: {  	v3 =	vor.u32 v3, v4  }
0x92: {  	v4 =	vperm.xlane v3, v0;
	_ =	sdelay $0x1  }
0x93: {  	v4 =	vadd.s32 v1, v4;
	_ =	sdelay $0x4  }
0x94: {  	[tilespmem:s28], [sflag:$0x1] =	stream.indirect_vreg.gather [hbm4b:s3+s2], $0x80, v4, vm0, $0xb8;
	[tilespmem:$0x10080] =	vst v63  }
0x95: {  	v3 =	vperm.xlane v3, v2  }
0x96: {  	[tilespmem:s29], [sflag:$0x1] =	stream.indirect_vreg.gather [hbm4b:s4+s2], $0x80, v4, vm0, $0xb8;
	[tilespmem:$0x10080] =	vst v63  }
0x97: {  	v3 =	vadd.s32 v1, v3  }
0x98: {  	[tilespmem:s30], [sflag:$0x1] =	stream.indirect_vreg.gather [hbm4b:s5+s2], $0x80, v4, vm0, $0xb8;
	[tilespmem:$0x10080] =	vst v63  }
0x99: {  	_ = 	snop  }
0x9a: {  	[tilespmem:s31], [sflag:$0x1] =	stream.indirect_vreg.gather [hbm4b:s6+s2], $0x80, v4, vm0, $0xb8;
	[tilespmem:$0x10080] =	vst v63  }
0x9b: {  	_ = 	snop  }
0x9c: {  	[tilespmem:s0], [sflag:$0x1] =	stream.indirect_vreg.gather [hbm4b:s3+s2], $0x80, v3, vm0, $0xb8;
	[tilespmem:$0x10080] =	vst v63  }
0x9d: {  	_ = 	snop  }
0x9e: {  	[tilespmem:s1], [sflag:$0x1] =	stream.indirect_vreg.gather [hbm4b:s4+s2], $0x80, v3, vm0, $0xb8;
	[tilespmem:$0x10080] =	vst v63  }
0x9f: {  	_ = 	snop  }
0xa0: {  	[tilespmem:s8], [sflag:$0x1] =	stream.indirect_vreg.gather [hbm4b:s5+s2], $0x80, v3, vm0, $0xb8;
	[tilespmem:$0x10080] =	vst v63  }
0xa1: {  	_ = 	snop  }
0xa2: {  	[tilespmem:s10], [sflag:$0x1] =	stream.indirect_vreg.gather [hbm4b:s6+s2], $0x80, v3, vm0, $0xb8;
	[tilespmem:$0x10080] =	vst v63  }
0xa3: {  	v3 =	vld [tilespmem:$0x10020];
	_ =	sdelay $0x4  }
0xa4: {  	v62 =	vshll.u32 v3, $0x3  }
0xa5: {  	v3 =	vand.u32 $0x7, v3;
	v4 =	vand.u32 $0xFFFFFFC0, v62  }
0xa6: {  	v3 =	vor.u32 v3, v4  }
0xa7: {  	v4 =	vperm.xlane v3, v0;
	_ =	sdelay $0x1  }
0xa8: {  	v4 =	vadd.s32 v1, v4;
	_ =	sdelay $0x4  }
0xa9: {  	[tilespmem:s11], [sflag:$0x1] =	stream.indirect_vreg.gather [hbm4b:s3+s2], $0x80, v4, vm0, $0xb8;
	[tilespmem:$0x10080] =	vst v63  }
0xaa: {  	v3 =	vperm.xlane v3, v2  }
0xab: {  	[tilespmem:s12], [sflag:$0x1] =	stream.indirect_vreg.gather [hbm4b:s4+s2], $0x80, v4, vm0, $0xb8;
	[tilespmem:$0x10080] =	vst v63  }
0xac: {  	v3 =	vadd.s32 v1, v3  }
0xad: {  	[tilespmem:s13], [sflag:$0x1] =	stream.indirect_vreg.gather [hbm4b:s5+s2], $0x80, v4, vm0, $0xb8;
	[tilespmem:$0x10080] =	vst v63  }
0xae: {  	_ = 	snop  }
0xaf: {  	[tilespmem:s14], [sflag:$0x1] =	stream.indirect_vreg.gather [hbm4b:s6+s2], $0x80, v4, vm0, $0xb8;
	[tilespmem:$0x10080] =	vst v63  }
0xb0: {  	_ = 	snop  }
0xb1: {  	[tilespmem:s15], [sflag:$0x1] =	stream.indirect_vreg.gather [hbm4b:s3+s2], $0x80, v3, vm0, $0xb8;
	[tilespmem:$0x10080] =	vst v63  }
0xb2: {  	_ = 	snop  }
0xb3: {  	[tilespmem:s16], [sflag:$0x1] =	stream.indirect_vreg.gather [hbm4b:s4+s2], $0x80, v3, vm0, $0xb8;
	[tilespmem:$0x10080] =	vst v63  }
0xb4: {  	s18 =	simm.s32 $0xB000  }
0xb5: {  	[tilespmem:s18], [sflag:$0x1] =	stream.indirect_vreg.gather [hbm4b:s5+s2], $0x80, v3, vm0, $0xb8;
	[tilespmem:$0x10080] =	vst v63  }
0xb6: {  	s18 =	simm.s32 $0xB800  }
0xb7: {  	[tilespmem:s18], [sflag:$0x1] =	stream.indirect_vreg.gather [hbm4b:s6+s2], $0x80, v3, vm0, $0xb8;
	[tilespmem:$0x10080] =	vst v63  }
0xb8: {  	v3 =	vld [tilespmem:$0x10030];
	_ =	sdelay $0x4  }
0xb9: {  	v63 =	vshll.u32 v3, $0x3  }
0xba: {  	v3 =	vand.u32 $0x7, v3;
	v4 =	vand.u32 $0xFFFFFFC0, v63  }
0xbb: {  	v3 =	vor.u32 v3, v4  }
0xbc: {  	v4 =	vperm.xlane v3, v0;
	_ =	sdelay $0x1  }
0xbd: {  	v4 =	vadd.s32 v1, v4;
	_ =	sdelay $0x3  }
0xbe: {  	s18 =	simm.s32 $0xC000  }
0xbf: {  	[tilespmem:s18], [sflag:$0x1] =	stream.indirect_vreg.gather [hbm4b:s3+s2], $0x80, v4, vm0, $0xb8;
	[tilespmem:$0x10080] =	vst v63  }
0xc0: {  	v3 =	vperm.xlane v3, v2;
	s18 =	simm.s32 $0xC800  }
0xc1: {  	[tilespmem:s18], [sflag:$0x1] =	stream.indirect_vreg.gather [hbm4b:s4+s2], $0x80, v4, vm0, $0xb8;
	[tilespmem:$0x10080] =	vst v63  }
0xc2: {  	v3 =	vadd.s32 v1, v3;
	s18 =	simm.s32 $0xD000  }
0xc3: {  	[tilespmem:s18], [sflag:$0x1] =	stream.indirect_vreg.gather [hbm4b:s5+s2], $0x80, v4, vm0, $0xb8;
	[tilespmem:$0x10080] =	vst v63  }
0xc4: {  	s18 =	simm.s32 $0xD800  }
0xc5: {  	[tilespmem:s18], [sflag:$0x1] =	stream.indirect_vreg.gather [hbm4b:s6+s2], $0x80, v4, vm0, $0xb8;
	[tilespmem:$0x10080] =	vst v63  }
0xc6: {  	s18 =	simm.s32 $0xE000  }
0xc7: {  	[tilespmem:s18], [sflag:$0x1] =	stream.indirect_vreg.gather [hbm4b:s3+s2], $0x80, v3, vm0, $0xb8;
	[tilespmem:$0x10080] =	vst v63  }
0xc8: {  	s18 =	simm.s32 $0xE800  }
0xc9: {  	[tilespmem:s18], [sflag:$0x1] =	stream.indirect_vreg.gather [hbm4b:s4+s2], $0x80, v3, vm0, $0xb8;
	[tilespmem:$0x10080] =	vst v63  }
0xca: {  	s18 =	simm.s32 $0xF000  }
0xcb: {  	[tilespmem:s18], [sflag:$0x1] =	stream.indirect_vreg.gather [hbm4b:s5+s2], $0x80, v3, vm0, $0xb8;
	[tilespmem:$0x10080] =	vst v63  }
0xcc: {  	s18 =	simm.s32 $0xF800  }
0xcd: {  	[tilespmem:s18], [sflag:$0x1] =	stream.indirect_vreg.gather [hbm4b:s6+s2], $0x80, v3, vm0, $0xb8;
	[tilespmem:$0x10080] =	vst v63  }
0xce: {  	_ =	swait.ge [sflag:s17], $0x10000  }
0xcf: {  	p0 =	sne.s32 s7, $0x1;
	[sflag:s17] =	ssyncset.done $0x0  }
.Ltmp0:
0xd0: {  	s0 =	rddreg [dreg:$0x6];
	[sflag:s17] =	ssyncadd.s32 $0xFFFF0000;
	(pc) =	sbr.rel @p0 .LBB2_1-.Ltmp0, $4  }
0xd1: {  	[hbm4b:s0+s2] =	stream.linear.scatter [tilespmem:s2], [sflag:$0x2], $0x10000, $0x38;
	[tilespmem:$0x10080] =	vst v63  }
0xd2: {  	_ =	swait.ge [sflag:s9], $0x10000  }
0xd3: {  	[sflag:s9] =	ssyncset.done $0x0  }
0xd4: {  	s7 =	sadd.s32 $0xFFFFFFFF, s7;
	[sflag:s9] =	ssyncadd.s32 $0xFFFF0000  }
0xd5: {  	_ =	sfence.sel $0x180000  }
0xd6: {  	[bflag:$0x0] =	sbarrier.arrive $0xFFFF  }
0xd7: {  	_ =	strace $0x9000004A  }
0xd8: {  	s0 =	stileid.u32;
	[bflag:$0x2] =	sbarrier.arrive $0xFFFF  }
0xd9: {  	p0 =	sne.s32 s0, $0x0;
	s0 =	rddreg [dreg:$0x2]  }
0xda: {  	s0 =	sadd.s32 @!p0 $0x100000, s0  }
0xdb: {  	[sflag:s0] =	ssyncadd.tile.s32 @!p0 $0x1;
	_ =	shalt  }
.Lfunc_end2:
_tile_overlayer_lowered:
.L_overlay_start_2:
0xdc: {  	(tag) =	ssettag $0x2  }
0xdd: {  	s0 =	rddreg [dreg:$0x0];
	s2 =	stileid.u32  }
0xde: {  	s1 =	rddreg [dreg:$0x1];
	p0 =	sne.s32 s2, $0x0  }
0xdf: {  	s3 =	rddreg [dreg:$0x2];
	[bflag:$0x3] =	sbarrier.arrive $0xFFFF;
	s2 =	simm.s32 @!p0 $0x1C02  }
0xe0: {  	[timem:s3], [sflag:s2] =	dma.local @!p0 [hbm:s0], s1  }
0xe1: {  	s0 =	simm.s32 @!p0 $0x2  }
0xe2: {  	_ =	swait.ge @!p0 [sflag:s0], s1  }
0xe3: {  	s1 =	ssub.s32 @!p0 $0x0, s1;
	[sflag:s0] =	ssyncset.done @!p0 $0x0  }
0xe4: {  	[sflag:s0] =	ssyncadd.s32 @!p0 s1  }
0xe5: {  	[bflag:$0x3] =	sbarrier.arrive $0xFFFF  }
0xe6: {  	_ =	shalt  }

</sc_bundles>
